<compile_context>
chip_gen: v7x
topology: tpu7x:2x2x1
jax: 0.10.2.dev20260603
libtpu: 0.0.44.dev20260713+nightly
codegen_flags: <defaults>
</compile_context>

<pallas_src>
import functools

import jax
import jax.numpy as jnp
from jax import lax
from jax.experimental import pallas as pl
from jax.experimental.pallas import tpu as pltpu
from jax.experimental.pallas import tpu_sc as plsc

_BATCH, _HIST, _EMB = 4096, 50, 128
_HPAD = 56
_NC, _NS = 2, 16
_NW = _NC * _NS
_BROWS = _BATCH // _NW
_RPW = _BROWS * _HPAD
_GROW = 8
_NGRP = _BROWS // _GROW
_HALF = _NGRP // 2


def _gather_body(idx_hbm, table_hbm, out_hbm, idx_v, buf0, buf1,
                 gsem0, gsem1, osem0, osem1):
    wid = lax.axis_index("s") * _NC + lax.axis_index("c")
    row0 = wid * _BROWS
    pltpu.sync_copy(idx_hbm.at[wid], idx_v)

    def start_gather(g, buf, sem):
        for b in range(_GROW):
            pltpu.async_copy(
                table_hbm.at[idx_v.at[pl.ds((g * _GROW + b) * _HPAD, _HIST)]],
                buf.at[b], sem)

    def wait_gather(buf, sem):
        for b in range(_GROW):
            pltpu.make_async_copy(
                table_hbm.at[idx_v.at[pl.ds(b * _HPAD, _HIST)]],
                buf.at[b], sem).wait()

    def start_out(g, buf, sem):
        pltpu.async_copy(buf, out_hbm.at[pl.ds(row0 + g * _GROW, _GROW)], sem)

    def wait_out(buf, sem):
        pltpu.make_async_copy(buf, out_hbm.at[pl.ds(row0, _GROW)], sem).wait()

    start_gather(0, buf0, gsem0)

    def pair(h, carry):
        g0 = 2 * h
        wait_gather(buf0, gsem0)
        start_gather(g0 + 1, buf1, gsem1)
        start_out(g0, buf0, osem0)
        wait_gather(buf1, gsem1)
        wait_out(buf0, osem0)
        start_gather(lax.rem(g0 + 2, _NGRP), buf0, gsem0)
        start_out(g0 + 1, buf1, osem1)
        wait_out(buf1, osem1)
        return carry

    lax.fori_loop(0, _HALF, pair, 0)
    wait_gather(buf0, gsem0)


def kernel(x, table):
    idx = jnp.pad(x.astype(jnp.int32), ((0, 0), (0, _HPAD - _HIST)))
    idx = idx.reshape(_NW, _RPW)
    mesh = plsc.VectorSubcoreMesh(core_axis_name="c", subcore_axis_name="s")
    run = functools.partial(
        pl.kernel,
        mesh=mesh,
        out_type=jax.ShapeDtypeStruct((_BATCH, _HIST, _EMB), jnp.float32),
        scratch_types=[
            pltpu.VMEM((_RPW,), jnp.int32),
            pltpu.VMEM((_GROW, _HIST, _EMB), jnp.float32),
            pltpu.VMEM((_GROW, _HIST, _EMB), jnp.float32),
            pltpu.SemaphoreType.DMA,
            pltpu.SemaphoreType.DMA,
            pltpu.SemaphoreType.DMA,
            pltpu.SemaphoreType.DMA,
        ],
    )(_gather_body)
    return run(idx, table)

# --- scband reference (transcript-rebuilt; emitter-appended) ---
"""Pipeline reference for scband-embedding-net-20366734917649 (READ-ONLY COPY).

The authoritative reference and input builder live on the scoring server;
editing this copy changes nothing except your own understanding.
"""

import jax, jax.numpy as jnp
import numpy as np

VOCAB = 100000
EMB_DIM = 128
BATCH = 4096
HIST = 50

def setup_inputs(seed: int = 0) -> dict:
    key = jax.random.key(seed)
    k1, k2 = jax.random.split(key)
    x = jax.random.randint(k1, (BATCH, HIST), 0, VOCAB, dtype=jnp.int64)
    # nn.Embedding default init: N(0, 1)
    table = jax.random.normal(k2, (VOCAB, EMB_DIM), dtype=jnp.float32)
    return {"x": x, "table": table}

def reference(x, table):
    # EmbeddingNet.forward: self.embeddings(x)
    output = jnp.take(table, x, axis=0)
    return output

if __name__ == "__main__":
    import jax
    _d = setup_inputs()
    print(jax.jit(kernel)(*tuple(_d.values())))

</pallas_src>

<mosaic_0001>
#map = affine_map<(d0, d1) -> (0, 0)>
#map1 = affine_map<(d0, d1) -> (0, 0, 0)>
module attributes {stable_mosaic.version = 14 : i64} {
  func.func @_gather_body(%arg0: i32, %arg1: i32, %arg2: memref<32x7168xi32, #tpu.memory_space<hbm>>, %arg3: memref<100000x128xf32, #tpu.memory_space<hbm>>, %arg4: memref<4096x50x128xf32, #tpu.memory_space<hbm>>, %arg5: memref<7168xi32, #tpu.memory_space<vmem>>, %arg6: memref<8x50x128xf32, #tpu.memory_space<vmem>>, %arg7: memref<8x50x128xf32, #tpu.memory_space<vmem>>, %arg8: memref<!tpu.dma_semaphore, #tpu.memory_space<semaphore_mem>>, %arg9: memref<!tpu.dma_semaphore, #tpu.memory_space<semaphore_mem>>, %arg10: memref<!tpu.dma_semaphore, #tpu.memory_space<semaphore_mem>>, %arg11: memref<!tpu.dma_semaphore, #tpu.memory_space<semaphore_mem>>) attributes {dimension_semantics = [#tpu.dimension_semantics<core_parallel>, #tpu.dimension_semantics<subcore_parallel>], iteration_bounds = array<i64: 2, 16>, scalar_prefetch = 0 : i64, scratch_operands = 7 : i64, tpu.core_type = #tpu.core_type<sc_vector_subcore>, window_params = [{transform_indices = #map}, {transform_indices = #map}, {transform_indices = #map1}]} {
    %mul3A = arith.constant 2 : i32
    %mul3A_0 = arith.muli %arg1, %mul3A : i32
    %add3A = arith.addi %mul3A_0, %arg0 : i32
    %mul3A_1 = arith.constant 128 : i32
    %mul3A_2 = arith.muli %add3A, %mul3A_1 : i32
    "tpu.region"() ({
      %run_scoped3A = tpu.sem_alloc : memref<!tpu.dma_semaphore, #tpu.memory_space<semaphore_mem>>
      %dma_start3A_166 = arith.constant 0 : i32
      %dma_start3A_167 = tpu.memref_slice %arg2[%add3A, %dma_start3A_166] : memref<32x7168xi32, #tpu.memory_space<hbm>> -> memref<1x7168xi32, #tpu.memory_space<hbm>>
      %dma_start3A_168 = tpu.memref_squeeze %dma_start3A_167 : memref<1x7168xi32, #tpu.memory_space<hbm>> -> memref<7168xi32, #tpu.memory_space<hbm>>
      %dma_start3A_169 = arith.constant 0 : i32
      %dma_start3A_170 = tpu.memref_slice %arg2[%add3A, %dma_start3A_169] : memref<32x7168xi32, #tpu.memory_space<hbm>> -> memref<1x7168xi32, #tpu.memory_space<hbm>>
      %dma_start3A_171 = tpu.memref_squeeze %dma_start3A_170 : memref<1x7168xi32, #tpu.memory_space<hbm>> -> memref<7168xi32, #tpu.memory_space<hbm>>
      tpu.enqueue_dma source(%dma_start3A_171 : memref<7168xi32, #tpu.memory_space<hbm>>) target(%arg5 : memref<7168xi32, #tpu.memory_space<vmem>>) target_semaphore(%run_scoped3A : memref<!tpu.dma_semaphore, #tpu.memory_space<semaphore_mem>>)
      %dma_wait3A_172 = arith.constant 0 : i32
      %dma_wait3A_173 = tpu.memref_slice %arg2[%add3A, %dma_wait3A_172] : memref<32x7168xi32, #tpu.memory_space<hbm>> -> memref<1x7168xi32, #tpu.memory_space<hbm>>
      %dma_wait3A_174 = tpu.memref_squeeze %dma_wait3A_173 : memref<1x7168xi32, #tpu.memory_space<hbm>> -> memref<7168xi32, #tpu.memory_space<hbm>>
      %dma_wait3A_175 = arith.constant 0 : i32
      %dma_wait3A_176 = tpu.memref_slice %arg2[%add3A, %dma_wait3A_175] : memref<32x7168xi32, #tpu.memory_space<hbm>> -> memref<1x7168xi32, #tpu.memory_space<hbm>>
      %dma_wait3A_177 = tpu.memref_squeeze %dma_wait3A_176 : memref<1x7168xi32, #tpu.memory_space<hbm>> -> memref<7168xi32, #tpu.memory_space<hbm>>
      tpu.wait_dma2 semaphore(%run_scoped3A : memref<!tpu.dma_semaphore, #tpu.memory_space<semaphore_mem>>) src(%dma_wait3A_177 : memref<7168xi32, #tpu.memory_space<hbm>>) dst(%arg5 : memref<7168xi32, #tpu.memory_space<vmem>>)
      tpu.yield
    }) : () -> ()
    %dma_start3A = arith.constant 0 : i32
    %dma_start3A_3 = arith.constant 0 : i32
    %dma_start3A_4 = arith.constant 0 : i32
    %dma_start3A_5 = tpu.memref_slice %arg6[%dma_start3A, %dma_start3A_3, %dma_start3A_4] : memref<8x50x128xf32, #tpu.memory_space<vmem>> -> memref<1x50x128xf32, #tpu.memory_space<vmem>>
    %dma_start3A_6 = tpu.memref_squeeze %dma_start3A_5 : memref<1x50x128xf32, #tpu.memory_space<vmem>> -> memref<50x128xf32, #tpu.memory_space<vmem>>
    %dma_start3A_7 = arith.constant 0 : i32
    %dma_start3A_8 = tpu.memref_slice %arg5[%dma_start3A_7] : memref<7168xi32, #tpu.memory_space<vmem>> -> memref<50xi32, #tpu.memory_space<vmem>>
    %dma_start3A_9 = arith.constant 0 : i32
    %dma_start3A_10 = arith.constant 0 : i32
    %dma_start3A_11 = tpu.memref_slice %arg3[%dma_start3A_9, %dma_start3A_10] : memref<100000x128xf32, #tpu.memory_space<hbm>> -> memref<100000x128xf32, #tpu.memory_space<hbm>>
    tpu.enqueue_indirect_dma source(%dma_start3A_11 : memref<100000x128xf32, #tpu.memory_space<hbm>>) target(%dma_start3A_6 : memref<50x128xf32, #tpu.memory_space<vmem>>) offsets(%dma_start3A_8 : memref<50xi32, #tpu.memory_space<vmem>>) semaphore(%arg8 : memref<!tpu.dma_semaphore, #tpu.memory_space<semaphore_mem>>)
    %dma_start3A_12 = arith.constant 1 : i32
    %dma_start3A_13 = arith.constant 0 : i32
    %dma_start3A_14 = arith.constant 0 : i32
    %dma_start3A_15 = tpu.memref_slice %arg6[%dma_start3A_12, %dma_start3A_13, %dma_start3A_14] : memref<8x50x128xf32, #tpu.memory_space<vmem>> -> memref<1x50x128xf32, #tpu.memory_space<vmem>>
    %dma_start3A_16 = tpu.memref_squeeze %dma_start3A_15 : memref<1x50x128xf32, #tpu.memory_space<vmem>> -> memref<50x128xf32, #tpu.memory_space<vmem>>
    %dma_start3A_17 = arith.constant 56 : i32
    %dma_start3A_18 = tpu.memref_slice %arg5[%dma_start3A_17] : memref<7168xi32, #tpu.memory_space<vmem>> -> memref<50xi32, #tpu.memory_space<vmem>>
    %dma_start3A_19 = arith.constant 0 : i32
    %dma_start3A_20 = arith.constant 0 : i32
    %dma_start3A_21 = tpu.memref_slice %arg3[%dma_start3A_19, %dma_start3A_20] : memref<100000x128xf32, #tpu.memory_space<hbm>> -> memref<100000x128xf32, #tpu.memory_space<hbm>>
    tpu.enqueue_indirect_dma source(%dma_start3A_21 : memref<100000x128xf32, #tpu.memory_space<hbm>>) target(%dma_start3A_16 : memref<50x128xf32, #tpu.memory_space<vmem>>) offsets(%dma_start3A_18 : memref<50xi32, #tpu.memory_space<vmem>>) semaphore(%arg8 : memref<!tpu.dma_semaphore, #tpu.memory_space<semaphore_mem>>)
    %dma_start3A_22 = arith.constant 2 : i32
    %dma_start3A_23 = arith.constant 0 : i32
    %dma_start3A_24 = arith.constant 0 : i32
    %dma_start3A_25 = tpu.memref_slice %arg6[%dma_start3A_22, %dma_start3A_23, %dma_start3A_24] : memref<8x50x128xf32, #tpu.memory_space<vmem>> -> memref<1x50x128xf32, #tpu.memory_space<vmem>>
    %dma_start3A_26 = tpu.memref_squeeze %dma_start3A_25 : memref<1x50x128xf32, #tpu.memory_space<vmem>> -> memref<50x128xf32, #tpu.memory_space<vmem>>
    %dma_start3A_27 = arith.constant 112 : i32
    %dma_start3A_28 = tpu.memref_slice %arg5[%dma_start3A_27] : memref<7168xi32, #tpu.memory_space<vmem>> -> memref<50xi32, #tpu.memory_space<vmem>>
    %dma_start3A_29 = arith.constant 0 : i32
    %dma_start3A_30 = arith.constant 0 : i32
    %dma_start3A_31 = tpu.memref_slice %arg3[%dma_start3A_29, %dma_start3A_30] : memref<100000x128xf32, #tpu.memory_space<hbm>> -> memref<100000x128xf32, #tpu.memory_space<hbm>>
    tpu.enqueue_indirect_dma source(%dma_start3A_31 : memref<100000x128xf32, #tpu.memory_space<hbm>>) target(%dma_start3A_26 : memref<50x128xf32, #tpu.memory_space<vmem>>) offsets(%dma_start3A_28 : memref<50xi32, #tpu.memory_space<vmem>>) semaphore(%arg8 : memref<!tpu.dma_semaphore, #tpu.memory_space<semaphore_mem>>)
    %dma_start3A_32 = arith.constant 3 : i32
    %dma_start3A_33 = arith.constant 0 : i32
    %dma_start3A_34 = arith.constant 0 : i32
    %dma_start3A_35 = tpu.memref_slice %arg6[%dma_start3A_32, %dma_start3A_33, %dma_start3A_34] : memref<8x50x128xf32, #tpu.memory_space<vmem>> -> memref<1x50x128xf32, #tpu.memory_space<vmem>>
    %dma_start3A_36 = tpu.memref_squeeze %dma_start3A_35 : memref<1x50x128xf32, #tpu.memory_space<vmem>> -> memref<50x128xf32, #tpu.memory_space<vmem>>
    %dma_start3A_37 = arith.constant 168 : i32
    %dma_start3A_38 = tpu.memref_slice %arg5[%dma_start3A_37] : memref<7168xi32, #tpu.memory_space<vmem>> -> memref<50xi32, #tpu.memory_space<vmem>>
    %dma_start3A_39 = arith.constant 0 : i32
    %dma_start3A_40 = arith.constant 0 : i32
    %dma_start3A_41 = tpu.memref_slice %arg3[%dma_start3A_39, %dma_start3A_40] : memref<100000x128xf32, #tpu.memory_space<hbm>> -> memref<100000x128xf32, #tpu.memory_space<hbm>>
    tpu.enqueue_indirect_dma source(%dma_start3A_41 : memref<100000x128xf32, #tpu.memory_space<hbm>>) target(%dma_start3A_36 : memref<50x128xf32, #tpu.memory_space<vmem>>) offsets(%dma_start3A_38 : memref<50xi32, #tpu.memory_space<vmem>>) semaphore(%arg8 : memref<!tpu.dma_semaphore, #tpu.memory_space<semaphore_mem>>)
    %dma_start3A_42 = arith.constant 4 : i32
    %dma_start3A_43 = arith.constant 0 : i32
    %dma_start3A_44 = arith.constant 0 : i32
    %dma_start3A_45 = tpu.memref_slice %arg6[%dma_start3A_42, %dma_start3A_43, %dma_start3A_44] : memref<8x50x128xf32, #tpu.memory_space<vmem>> -> memref<1x50x128xf32, #tpu.memory_space<vmem>>
    %dma_start3A_46 = tpu.memref_squeeze %dma_start3A_45 : memref<1x50x128xf32, #tpu.memory_space<vmem>> -> memref<50x128xf32, #tpu.memory_space<vmem>>
    %dma_start3A_47 = arith.constant 224 : i32
    %dma_start3A_48 = tpu.memref_slice %arg5[%dma_start3A_47] : memref<7168xi32, #tpu.memory_space<vmem>> -> memref<50xi32, #tpu.memory_space<vmem>>
    %dma_start3A_49 = arith.constant 0 : i32
    %dma_start3A_50 = arith.constant 0 : i32
    %dma_start3A_51 = tpu.memref_slice %arg3[%dma_start3A_49, %dma_start3A_50] : memref<100000x128xf32, #tpu.memory_space<hbm>> -> memref<100000x128xf32, #tpu.memory_space<hbm>>
    tpu.enqueue_indirect_dma source(%dma_start3A_51 : memref<100000x128xf32, #tpu.memory_space<hbm>>) target(%dma_start3A_46 : memref<50x128xf32, #tpu.memory_space<vmem>>) offsets(%dma_start3A_48 : memref<50xi32, #tpu.memory_space<vmem>>) semaphore(%arg8 : memref<!tpu.dma_semaphore, #tpu.memory_space<semaphore_mem>>)
    %dma_start3A_52 = arith.constant 5 : i32
    %dma_start3A_53 = arith.constant 0 : i32
    %dma_start3A_54 = arith.constant 0 : i32
    %dma_start3A_55 = tpu.memref_slice %arg6[%dma_start3A_52, %dma_start3A_53, %dma_start3A_54] : memref<8x50x128xf32, #tpu.memory_space<vmem>> -> memref<1x50x128xf32, #tpu.memory_space<vmem>>
    %dma_start3A_56 = tpu.memref_squeeze %dma_start3A_55 : memref<1x50x128xf32, #tpu.memory_space<vmem>> -> memref<50x128xf32, #tpu.memory_space<vmem>>
    %dma_start3A_57 = arith.constant 280 : i32
    %dma_start3A_58 = tpu.memref_slice %arg5[%dma_start3A_57] : memref<7168xi32, #tpu.memory_space<vmem>> -> memref<50xi32, #tpu.memory_space<vmem>>
    %dma_start3A_59 = arith.constant 0 : i32
    %dma_start3A_60 = arith.constant 0 : i32
    %dma_start3A_61 = tpu.memref_slice %arg3[%dma_start3A_59, %dma_start3A_60] : memref<100000x128xf32, #tpu.memory_space<hbm>> -> memref<100000x128xf32, #tpu.memory_space<hbm>>
    tpu.enqueue_indirect_dma source(%dma_start3A_61 : memref<100000x128xf32, #tpu.memory_space<hbm>>) target(%dma_start3A_56 : memref<50x128xf32, #tpu.memory_space<vmem>>) offsets(%dma_start3A_58 : memref<50xi32, #tpu.memory_space<vmem>>) semaphore(%arg8 : memref<!tpu.dma_semaphore, #tpu.memory_space<semaphore_mem>>)
    %dma_start3A_62 = arith.constant 6 : i32
    %dma_start3A_63 = arith.constant 0 : i32
    %dma_start3A_64 = arith.constant 0 : i32
    %dma_start3A_65 = tpu.memref_slice %arg6[%dma_start3A_62, %dma_start3A_63, %dma_start3A_64] : memref<8x50x128xf32, #tpu.memory_space<vmem>> -> memref<1x50x128xf32, #tpu.memory_space<vmem>>
    %dma_start3A_66 = tpu.memref_squeeze %dma_start3A_65 : memref<1x50x128xf32, #tpu.memory_space<vmem>> -> memref<50x128xf32, #tpu.memory_space<vmem>>
    %dma_start3A_67 = arith.constant 336 : i32
    %dma_start3A_68 = tpu.memref_slice %arg5[%dma_start3A_67] : memref<7168xi32, #tpu.memory_space<vmem>> -> memref<50xi32, #tpu.memory_space<vmem>>
    %dma_start3A_69 = arith.constant 0 : i32
    %dma_start3A_70 = arith.constant 0 : i32
    %dma_start3A_71 = tpu.memref_slice %arg3[%dma_start3A_69, %dma_start3A_70] : memref<100000x128xf32, #tpu.memory_space<hbm>> -> memref<100000x128xf32, #tpu.memory_space<hbm>>
    tpu.enqueue_indirect_dma source(%dma_start3A_71 : memref<100000x128xf32, #tpu.memory_space<hbm>>) target(%dma_start3A_66 : memref<50x128xf32, #tpu.memory_space<vmem>>) offsets(%dma_start3A_68 : memref<50xi32, #tpu.memory_space<vmem>>) semaphore(%arg8 : memref<!tpu.dma_semaphore, #tpu.memory_space<semaphore_mem>>)
    %dma_start3A_72 = arith.constant 7 : i32
    %dma_start3A_73 = arith.constant 0 : i32
    %dma_start3A_74 = arith.constant 0 : i32
    %dma_start3A_75 = tpu.memref_slice %arg6[%dma_start3A_72, %dma_start3A_73, %dma_start3A_74] : memref<8x50x128xf32, #tpu.memory_space<vmem>> -> memref<1x50x128xf32, #tpu.memory_space<vmem>>
    %dma_start3A_76 = tpu.memref_squeeze %dma_start3A_75 : memref<1x50x128xf32, #tpu.memory_space<vmem>> -> memref<50x128xf32, #tpu.memory_space<vmem>>
    %dma_start3A_77 = arith.constant 392 : i32
    %dma_start3A_78 = tpu.memref_slice %arg5[%dma_start3A_77] : memref<7168xi32, #tpu.memory_space<vmem>> -> memref<50xi32, #tpu.memory_space<vmem>>
    %dma_start3A_79 = arith.constant 0 : i32
    %dma_start3A_80 = arith.constant 0 : i32
    %dma_start3A_81 = tpu.memref_slice %arg3[%dma_start3A_79, %dma_start3A_80] : memref<100000x128xf32, #tpu.memory_space<hbm>> -> memref<100000x128xf32, #tpu.memory_space<hbm>>
    tpu.enqueue_indirect_dma source(%dma_start3A_81 : memref<100000x128xf32, #tpu.memory_space<hbm>>) target(%dma_start3A_76 : memref<50x128xf32, #tpu.memory_space<vmem>>) offsets(%dma_start3A_78 : memref<50xi32, #tpu.memory_space<vmem>>) semaphore(%arg8 : memref<!tpu.dma_semaphore, #tpu.memory_space<semaphore_mem>>)
    %scan3A = arith.constant 0 : i32
    %scan3A_82 = arith.constant 0 : i32
    %scan3A_83 = arith.constant 8 : i32
    %scan3A_84 = arith.addi %scan3A_82, %scan3A_83 : i32
    %scan3A_85 = arith.constant 1 : i32
    scf.for %scan3A_166 = %scan3A_82 to %scan3A_84 step %scan3A_85  : i32 {
      %mul3A_167 = arith.constant 2 : i32
      %mul3A_168 = arith.muli %mul3A_167, %scan3A_166 : i32
      %dma_wait3A_169 = arith.constant 0 : i32
      %dma_wait3A_170 = arith.constant 0 : i32
      %dma_wait3A_171 = arith.constant 0 : i32
      %dma_wait3A_172 = tpu.memref_slice %arg6[%dma_wait3A_169, %dma_wait3A_170, %dma_wait3A_171] : memref<8x50x128xf32, #tpu.memory_space<vmem>> -> memref<1x50x128xf32, #tpu.memory_space<vmem>>
      %dma_wait3A_173 = tpu.memref_squeeze %dma_wait3A_172 : memref<1x50x128xf32, #tpu.memory_space<vmem>> -> memref<50x128xf32, #tpu.memory_space<vmem>>
      %dma_wait3A_174 = arith.constant 0 : i32
      %dma_wait3A_175 = tpu.memref_slice %arg5[%dma_wait3A_174] : memref<7168xi32, #tpu.memory_space<vmem>> -> memref<50xi32, #tpu.memory_space<vmem>>
      %dma_wait3A_176 = arith.constant 0 : i32
      %dma_wait3A_177 = arith.constant 0 : i32
      %dma_wait3A_178 = tpu.memref_slice %arg3[%dma_wait3A_176, %dma_wait3A_177] : memref<100000x128xf32, #tpu.memory_space<hbm>> -> memref<100000x128xf32, #tpu.memory_space<hbm>>
      tpu.wait_indirect_dma semaphore(%arg8 : memref<!tpu.dma_semaphore, #tpu.memory_space<semaphore_mem>>) src(%dma_wait3A_178 : memref<100000x128xf32, #tpu.memory_space<hbm>>) dst(%dma_wait3A_173 : memref<50x128xf32, #tpu.memory_space<vmem>>)
      %dma_wait3A_179 = arith.constant 1 : i32
      %dma_wait3A_180 = arith.constant 0 : i32
      %dma_wait3A_181 = arith.constant 0 : i32
      %dma_wait3A_182 = tpu.memref_slice %arg6[%dma_wait3A_179, %dma_wait3A_180, %dma_wait3A_181] : memref<8x50x128xf32, #tpu.memory_space<vmem>> -> memref<1x50x128xf32, #tpu.memory_space<vmem>>
      %dma_wait3A_183 = tpu.memref_squeeze %dma_wait3A_182 : memref<1x50x128xf32, #tpu.memory_space<vmem>> -> memref<50x128xf32, #tpu.memory_space<vmem>>
      %dma_wait3A_184 = arith.constant 56 : i32
      %dma_wait3A_185 = tpu.memref_slice %arg5[%dma_wait3A_184] : memref<7168xi32, #tpu.memory_space<vmem>> -> memref<50xi32, #tpu.memory_space<vmem>>
      %dma_wait3A_186 = arith.constant 0 : i32
      %dma_wait3A_187 = arith.constant 0 : i32
      %dma_wait3A_188 = tpu.memref_slice %arg3[%dma_wait3A_186, %dma_wait3A_187] : memref<100000x128xf32, #tpu.memory_space<hbm>> -> memref<100000x128xf32, #tpu.memory_space<hbm>>
      tpu.wait_indirect_dma semaphore(%arg8 : memref<!tpu.dma_semaphore, #tpu.memory_space<semaphore_mem>>) src(%dma_wait3A_188 : memref<100000x128xf32, #tpu.memory_space<hbm>>) dst(%dma_wait3A_183 : memref<50x128xf32, #tpu.memory_space<vmem>>)
      %dma_wait3A_189 = arith.constant 2 : i32
      %dma_wait3A_190 = arith.constant 0 : i32
      %dma_wait3A_191 = arith.constant 0 : i32
      %dma_wait3A_192 = tpu.memref_slice %arg6[%dma_wait3A_189, %dma_wait3A_190, %dma_wait3A_191] : memref<8x50x128xf32, #tpu.memory_space<vmem>> -> memref<1x50x128xf32, #tpu.memory_space<vmem>>
      %dma_wait3A_193 = tpu.memref_squeeze %dma_wait3A_192 : memref<1x50x128xf32, #tpu.memory_space<vmem>> -> memref<50x128xf32, #tpu.memory_space<vmem>>
      %dma_wait3A_194 = arith.constant 112 : i32
      %dma_wait3A_195 = tpu.memref_slice %arg5[%dma_wait3A_194] : memref<7168xi32, #tpu.memory_space<vmem>> -> memref<50xi32, #tpu.memory_space<vmem>>
      %dma_wait3A_196 = arith.constant 0 : i32
      %dma_wait3A_197 = arith.constant 0 : i32
      %dma_wait3A_198 = tpu.memref_slice %arg3[%dma_wait3A_196, %dma_wait3A_197] : memref<100000x128xf32, #tpu.memory_space<hbm>> -> memref<100000x128xf32, #tpu.memory_space<hbm>>
      tpu.wait_indirect_dma semaphore(%arg8 : memref<!tpu.dma_semaphore, #tpu.memory_space<semaphore_mem>>) src(%dma_wait3A_198 : memref<100000x128xf32, #tpu.memory_space<hbm>>) dst(%dma_wait3A_193 : memref<50x128xf32, #tpu.memory_space<vmem>>)
      %dma_wait3A_199 = arith.constant 3 : i32
      %dma_wait3A_200 = arith.constant 0 : i32
      %dma_wait3A_201 = arith.constant 0 : i32
      %dma_wait3A_202 = tpu.memref_slice %arg6[%dma_wait3A_199, %dma_wait3A_200, %dma_wait3A_201] : memref<8x50x128xf32, #tpu.memory_space<vmem>> -> memref<1x50x128xf32, #tpu.memory_space<vmem>>
      %dma_wait3A_203 = tpu.memref_squeeze %dma_wait3A_202 : memref<1x50x128xf32, #tpu.memory_space<vmem>> -> memref<50x128xf32, #tpu.memory_space<vmem>>
      %dma_wait3A_204 = arith.constant 168 : i32
      %dma_wait3A_205 = tpu.memref_slice %arg5[%dma_wait3A_204] : memref<7168xi32, #tpu.memory_space<vmem>> -> memref<50xi32, #tpu.memory_space<vmem>>
      %dma_wait3A_206 = arith.constant 0 : i32
      %dma_wait3A_207 = arith.constant 0 : i32
      %dma_wait3A_208 = tpu.memref_slice %arg3[%dma_wait3A_206, %dma_wait3A_207] : memref<100000x128xf32, #tpu.memory_space<hbm>> -> memref<100000x128xf32, #tpu.memory_space<hbm>>
      tpu.wait_indirect_dma semaphore(%arg8 : memref<!tpu.dma_semaphore, #tpu.memory_space<semaphore_mem>>) src(%dma_wait3A_208 : memref<100000x128xf32, #tpu.memory_space<hbm>>) dst(%dma_wait3A_203 : memref<50x128xf32, #tpu.memory_space<vmem>>)
      %dma_wait3A_209 = arith.constant 4 : i32
      %dma_wait3A_210 = arith.constant 0 : i32
      %dma_wait3A_211 = arith.constant 0 : i32
      %dma_wait3A_212 = tpu.memref_slice %arg6[%dma_wait3A_209, %dma_wait3A_210, %dma_wait3A_211] : memref<8x50x128xf32, #tpu.memory_space<vmem>> -> memref<1x50x128xf32, #tpu.memory_space<vmem>>
      %dma_wait3A_213 = tpu.memref_squeeze %dma_wait3A_212 : memref<1x50x128xf32, #tpu.memory_space<vmem>> -> memref<50x128xf32, #tpu.memory_space<vmem>>
      %dma_wait3A_214 = arith.constant 224 : i32
      %dma_wait3A_215 = tpu.memref_slice %arg5[%dma_wait3A_214] : memref<7168xi32, #tpu.memory_space<vmem>> -> memref<50xi32, #tpu.memory_space<vmem>>
      %dma_wait3A_216 = arith.constant 0 : i32
      %dma_wait3A_217 = arith.constant 0 : i32
      %dma_wait3A_218 = tpu.memref_slice %arg3[%dma_wait3A_216, %dma_wait3A_217] : memref<100000x128xf32, #tpu.memory_space<hbm>> -> memref<100000x128xf32, #tpu.memory_space<hbm>>
      tpu.wait_indirect_dma semaphore(%arg8 : memref<!tpu.dma_semaphore, #tpu.memory_space<semaphore_mem>>) src(%dma_wait3A_218 : memref<100000x128xf32, #tpu.memory_space<hbm>>) dst(%dma_wait3A_213 : memref<50x128xf32, #tpu.memory_space<vmem>>)
      %dma_wait3A_219 = arith.constant 5 : i32
      %dma_wait3A_220 = arith.constant 0 : i32
      %dma_wait3A_221 = arith.constant 0 : i32
      %dma_wait3A_222 = tpu.memref_slice %arg6[%dma_wait3A_219, %dma_wait3A_220, %dma_wait3A_221] : memref<8x50x128xf32, #tpu.memory_space<vmem>> -> memref<1x50x128xf32, #tpu.memory_space<vmem>>
      %dma_wait3A_223 = tpu.memref_squeeze %dma_wait3A_222 : memref<1x50x128xf32, #tpu.memory_space<vmem>> -> memref<50x128xf32, #tpu.memory_space<vmem>>
      %dma_wait3A_224 = arith.constant 280 : i32
      %dma_wait3A_225 = tpu.memref_slice %arg5[%dma_wait3A_224] : memref<7168xi32, #tpu.memory_space<vmem>> -> memref<50xi32, #tpu.memory_space<vmem>>
      %dma_wait3A_226 = arith.constant 0 : i32
      %dma_wait3A_227 = arith.constant 0 : i32
      %dma_wait3A_228 = tpu.memref_slice %arg3[%dma_wait3A_226, %dma_wait3A_227] : memref<100000x128xf32, #tpu.memory_space<hbm>> -> memref<100000x128xf32, #tpu.memory_space<hbm>>
      tpu.wait_indirect_dma semaphore(%arg8 : memref<!tpu.dma_semaphore, #tpu.memory_space<semaphore_mem>>) src(%dma_wait3A_228 : memref<100000x128xf32, #tpu.memory_space<hbm>>) dst(%dma_wait3A_223 : memref<50x128xf32, #tpu.memory_space<vmem>>)
      %dma_wait3A_229 = arith.constant 6 : i32
      %dma_wait3A_230 = arith.constant 0 : i32
      %dma_wait3A_231 = arith.constant 0 : i32
      %dma_wait3A_232 = tpu.memref_slice %arg6[%dma_wait3A_229, %dma_wait3A_230, %dma_wait3A_231] : memref<8x50x128xf32, #tpu.memory_space<vmem>> -> memref<1x50x128xf32, #tpu.memory_space<vmem>>
      %dma_wait3A_233 = tpu.memref_squeeze %dma_wait3A_232 : memref<1x50x128xf32, #tpu.memory_space<vmem>> -> memref<50x128xf32, #tpu.memory_space<vmem>>
      %dma_wait3A_234 = arith.constant 336 : i32
      %dma_wait3A_235 = tpu.memref_slice %arg5[%dma_wait3A_234] : memref<7168xi32, #tpu.memory_space<vmem>> -> memref<50xi32, #tpu.memory_space<vmem>>
      %dma_wait3A_236 = arith.constant 0 : i32
      %dma_wait3A_237 = arith.constant 0 : i32
      %dma_wait3A_238 = tpu.memref_slice %arg3[%dma_wait3A_236, %dma_wait3A_237] : memref<100000x128xf32, #tpu.memory_space<hbm>> -> memref<100000x128xf32, #tpu.memory_space<hbm>>
      tpu.wait_indirect_dma semaphore(%arg8 : memref<!tpu.dma_semaphore, #tpu.memory_space<semaphore_mem>>) src(%dma_wait3A_238 : memref<100000x128xf32, #tpu.memory_space<hbm>>) dst(%dma_wait3A_233 : memref<50x128xf32, #tpu.memory_space<vmem>>)
      %dma_wait3A_239 = arith.constant 7 : i32
      %dma_wait3A_240 = arith.constant 0 : i32
      %dma_wait3A_241 = arith.constant 0 : i32
      %dma_wait3A_242 = tpu.memref_slice %arg6[%dma_wait3A_239, %dma_wait3A_240, %dma_wait3A_241] : memref<8x50x128xf32, #tpu.memory_space<vmem>> -> memref<1x50x128xf32, #tpu.memory_space<vmem>>
      %dma_wait3A_243 = tpu.memref_squeeze %dma_wait3A_242 : memref<1x50x128xf32, #tpu.memory_space<vmem>> -> memref<50x128xf32, #tpu.memory_space<vmem>>
      %dma_wait3A_244 = arith.constant 392 : i32
      %dma_wait3A_245 = tpu.memref_slice %arg5[%dma_wait3A_244] : memref<7168xi32, #tpu.memory_space<vmem>> -> memref<50xi32, #tpu.memory_space<vmem>>
      %dma_wait3A_246 = arith.constant 0 : i32
      %dma_wait3A_247 = arith.constant 0 : i32
      %dma_wait3A_248 = tpu.memref_slice %arg3[%dma_wait3A_246, %dma_wait3A_247] : memref<100000x128xf32, #tpu.memory_space<hbm>> -> memref<100000x128xf32, #tpu.memory_space<hbm>>
      tpu.wait_indirect_dma semaphore(%arg8 : memref<!tpu.dma_semaphore, #tpu.memory_space<semaphore_mem>>) src(%dma_wait3A_248 : memref<100000x128xf32, #tpu.memory_space<hbm>>) dst(%dma_wait3A_243 : memref<50x128xf32, #tpu.memory_space<vmem>>)
      %add3A_249 = arith.constant 1 : i32
      %add3A_250 = arith.addi %mul3A_168, %add3A_249 : i32
      %mul3A_251 = arith.constant 8 : i32
      %mul3A_252 = arith.muli %add3A_250, %mul3A_251 : i32
      %add3A_253 = arith.constant 0 : i32
      %add3A_254 = arith.addi %mul3A_252, %add3A_253 : i32
      %mul3A_255 = arith.constant 56 : i32
      %mul3A_256 = arith.muli %add3A_254, %mul3A_255 : i32
      %dma_start3A_257 = arith.constant 0 : i32
      %dma_start3A_258 = arith.constant 0 : i32
      %dma_start3A_259 = arith.constant 0 : i32
      %dma_start3A_260 = tpu.memref_slice %arg7[%dma_start3A_257, %dma_start3A_258, %dma_start3A_259] : memref<8x50x128xf32, #tpu.memory_space<vmem>> -> memref<1x50x128xf32, #tpu.memory_space<vmem>>
      %dma_start3A_261 = tpu.memref_squeeze %dma_start3A_260 : memref<1x50x128xf32, #tpu.memory_space<vmem>> -> memref<50x128xf32, #tpu.memory_space<vmem>>
      %dma_start3A_262 = tpu.memref_slice %arg5[%mul3A_256] : memref<7168xi32, #tpu.memory_space<vmem>> -> memref<50xi32, #tpu.memory_space<vmem>>
      %dma_start3A_263 = arith.constant 0 : i32
      %dma_start3A_264 = arith.constant 0 : i32
      %dma_start3A_265 = tpu.memref_slice %arg3[%dma_start3A_263, %dma_start3A_264] : memref<100000x128xf32, #tpu.memory_space<hbm>> -> memref<100000x128xf32, #tpu.memory_space<hbm>>
      tpu.enqueue_indirect_dma source(%dma_start3A_265 : memref<100000x128xf32, #tpu.memory_space<hbm>>) target(%dma_start3A_261 : memref<50x128xf32, #tpu.memory_space<vmem>>) offsets(%dma_start3A_262 : memref<50xi32, #tpu.memory_space<vmem>>) semaphore(%arg9 : memref<!tpu.dma_semaphore, #tpu.memory_space<semaphore_mem>>)
      %mul3A_266 = arith.constant 8 : i32
      %mul3A_267 = arith.muli %add3A_250, %mul3A_266 : i32
      %add3A_268 = arith.constant 1 : i32
      %add3A_269 = arith.addi %mul3A_267, %add3A_268 : i32
      %mul3A_270 = arith.constant 56 : i32
      %mul3A_271 = arith.muli %add3A_269, %mul3A_270 : i32
      %dma_start3A_272 = arith.constant 1 : i32
      %dma_start3A_273 = arith.constant 0 : i32
      %dma_start3A_274 = arith.constant 0 : i32
      %dma_start3A_275 = tpu.memref_slice %arg7[%dma_start3A_272, %dma_start3A_273, %dma_start3A_274] : memref<8x50x128xf32, #tpu.memory_space<vmem>> -> memref<1x50x128xf32, #tpu.memory_space<vmem>>
      %dma_start3A_276 = tpu.memref_squeeze %dma_start3A_275 : memref<1x50x128xf32, #tpu.memory_space<vmem>> -> memref<50x128xf32, #tpu.memory_space<vmem>>
      %dma_start3A_277 = tpu.memref_slice %arg5[%mul3A_271] : memref<7168xi32, #tpu.memory_space<vmem>> -> memref<50xi32, #tpu.memory_space<vmem>>
      %dma_start3A_278 = arith.constant 0 : i32
      %dma_start3A_279 = arith.constant 0 : i32
      %dma_start3A_280 = tpu.memref_slice %arg3[%dma_start3A_278, %dma_start3A_279] : memref<100000x128xf32, #tpu.memory_space<hbm>> -> memref<100000x128xf32, #tpu.memory_space<hbm>>
      tpu.enqueue_indirect_dma source(%dma_start3A_280 : memref<100000x128xf32, #tpu.memory_space<hbm>>) target(%dma_start3A_276 : memref<50x128xf32, #tpu.memory_space<vmem>>) offsets(%dma_start3A_277 : memref<50xi32, #tpu.memory_space<vmem>>) semaphore(%arg9 : memref<!tpu.dma_semaphore, #tpu.memory_space<semaphore_mem>>)
      %mul3A_281 = arith.constant 8 : i32
      %mul3A_282 = arith.muli %add3A_250, %mul3A_281 : i32
      %add3A_283 = arith.constant 2 : i32
      %add3A_284 = arith.addi %mul3A_282, %add3A_283 : i32
      %mul3A_285 = arith.constant 56 : i32
      %mul3A_286 = arith.muli %add3A_284, %mul3A_285 : i32
      %dma_start3A_287 = arith.constant 2 : i32
      %dma_start3A_288 = arith.constant 0 : i32
      %dma_start3A_289 = arith.constant 0 : i32
      %dma_start3A_290 = tpu.memref_slice %arg7[%dma_start3A_287, %dma_start3A_288, %dma_start3A_289] : memref<8x50x128xf32, #tpu.memory_space<vmem>> -> memref<1x50x128xf32, #tpu.memory_space<vmem>>
      %dma_start3A_291 = tpu.memref_squeeze %dma_start3A_290 : memref<1x50x128xf32, #tpu.memory_space<vmem>> -> memref<50x128xf32, #tpu.memory_space<vmem>>
      %dma_start3A_292 = tpu.memref_slice %arg5[%mul3A_286] : memref<7168xi32, #tpu.memory_space<vmem>> -> memref<50xi32, #tpu.memory_space<vmem>>
      %dma_start3A_293 = arith.constant 0 : i32
      %dma_start3A_294 = arith.constant 0 : i32
      %dma_start3A_295 = tpu.memref_slice %arg3[%dma_start3A_293, %dma_start3A_294] : memref<100000x128xf32, #tpu.memory_space<hbm>> -> memref<100000x128xf32, #tpu.memory_space<hbm>>
      tpu.enqueue_indirect_dma source(%dma_start3A_295 : memref<100000x128xf32, #tpu.memory_space<hbm>>) target(%dma_start3A_291 : memref<50x128xf32, #tpu.memory_space<vmem>>) offsets(%dma_start3A_292 : memref<50xi32, #tpu.memory_space<vmem>>) semaphore(%arg9 : memref<!tpu.dma_semaphore, #tpu.memory_space<semaphore_mem>>)
      %mul3A_296 = arith.constant 8 : i32
      %mul3A_297 = arith.muli %add3A_250, %mul3A_296 : i32
      %add3A_298 = arith.constant 3 : i32
      %add3A_299 = arith.addi %mul3A_297, %add3A_298 : i32
      %mul3A_300 = arith.constant 56 : i32
      %mul3A_301 = arith.muli %add3A_299, %mul3A_300 : i32
      %dma_start3A_302 = arith.constant 3 : i32
      %dma_start3A_303 = arith.constant 0 : i32
      %dma_start3A_304 = arith.constant 0 : i32
      %dma_start3A_305 = tpu.memref_slice %arg7[%dma_start3A_302, %dma_start3A_303, %dma_start3A_304] : memref<8x50x128xf32, #tpu.memory_space<vmem>> -> memref<1x50x128xf32, #tpu.memory_space<vmem>>
      %dma_start3A_306 = tpu.memref_squeeze %dma_start3A_305 : memref<1x50x128xf32, #tpu.memory_space<vmem>> -> memref<50x128xf32, #tpu.memory_space<vmem>>
      %dma_start3A_307 = tpu.memref_slice %arg5[%mul3A_301] : memref<7168xi32, #tpu.memory_space<vmem>> -> memref<50xi32, #tpu.memory_space<vmem>>
      %dma_start3A_308 = arith.constant 0 : i32
      %dma_start3A_309 = arith.constant 0 : i32
      %dma_start3A_310 = tpu.memref_slice %arg3[%dma_start3A_308, %dma_start3A_309] : memref<100000x128xf32, #tpu.memory_space<hbm>> -> memref<100000x128xf32, #tpu.memory_space<hbm>>
      tpu.enqueue_indirect_dma source(%dma_start3A_310 : memref<100000x128xf32, #tpu.memory_space<hbm>>) target(%dma_start3A_306 : memref<50x128xf32, #tpu.memory_space<vmem>>) offsets(%dma_start3A_307 : memref<50xi32, #tpu.memory_space<vmem>>) semaphore(%arg9 : memref<!tpu.dma_semaphore, #tpu.memory_space<semaphore_mem>>)
      %mul3A_311 = arith.constant 8 : i32
      %mul3A_312 = arith.muli %add3A_250, %mul3A_311 : i32
      %add3A_313 = arith.constant 4 : i32
      %add3A_314 = arith.addi %mul3A_312, %add3A_313 : i32
      %mul3A_315 = arith.constant 56 : i32
      %mul3A_316 = arith.muli %add3A_314, %mul3A_315 : i32
      %dma_start3A_317 = arith.constant 4 : i32
      %dma_start3A_318 = arith.constant 0 : i32
      %dma_start3A_319 = arith.constant 0 : i32
      %dma_start3A_320 = tpu.memref_slice %arg7[%dma_start3A_317, %dma_start3A_318, %dma_start3A_319] : memref<8x50x128xf32, #tpu.memory_space<vmem>> -> memref<1x50x128xf32, #tpu.memory_space<vmem>>
      %dma_start3A_321 = tpu.memref_squeeze %dma_start3A_320 : memref<1x50x128xf32, #tpu.memory_space<vmem>> -> memref<50x128xf32, #tpu.memory_space<vmem>>
      %dma_start3A_322 = tpu.memref_slice %arg5[%mul3A_316] : memref<7168xi32, #tpu.memory_space<vmem>> -> memref<50xi32, #tpu.memory_space<vmem>>
      %dma_start3A_323 = arith.constant 0 : i32
      %dma_start3A_324 = arith.constant 0 : i32
      %dma_start3A_325 = tpu.memref_slice %arg3[%dma_start3A_323, %dma_start3A_324] : memref<100000x128xf32, #tpu.memory_space<hbm>> -> memref<100000x128xf32, #tpu.memory_space<hbm>>
      tpu.enqueue_indirect_dma source(%dma_start3A_325 : memref<100000x128xf32, #tpu.memory_space<hbm>>) target(%dma_start3A_321 : memref<50x128xf32, #tpu.memory_space<vmem>>) offsets(%dma_start3A_322 : memref<50xi32, #tpu.memory_space<vmem>>) semaphore(%arg9 : memref<!tpu.dma_semaphore, #tpu.memory_space<semaphore_mem>>)
      %mul3A_326 = arith.constant 8 : i32
      %mul3A_327 = arith.muli %add3A_250, %mul3A_326 : i32
      %add3A_328 = arith.constant 5 : i32
      %add3A_329 = arith.addi %mul3A_327, %add3A_328 : i32
      %mul3A_330 = arith.constant 56 : i32
      %mul3A_331 = arith.muli %add3A_329, %mul3A_330 : i32
      %dma_start3A_332 = arith.constant 5 : i32
      %dma_start3A_333 = arith.constant 0 : i32
      %dma_start3A_334 = arith.constant 0 : i32
      %dma_start3A_335 = tpu.memref_slice %arg7[%dma_start3A_332, %dma_start3A_333, %dma_start3A_334] : memref<8x50x128xf32, #tpu.memory_space<vmem>> -> memref<1x50x128xf32, #tpu.memory_space<vmem>>
      %dma_start3A_336 = tpu.memref_squeeze %dma_start3A_335 : memref<1x50x128xf32, #tpu.memory_space<vmem>> -> memref<50x128xf32, #tpu.memory_space<vmem>>
      %dma_start3A_337 = tpu.memref_slice %arg5[%mul3A_331] : memref<7168xi32, #tpu.memory_space<vmem>> -> memref<50xi32, #tpu.memory_space<vmem>>
      %dma_start3A_338 = arith.constant 0 : i32
      %dma_start3A_339 = arith.constant 0 : i32
      %dma_start3A_340 = tpu.memref_slice %arg3[%dma_start3A_338, %dma_start3A_339] : memref<100000x128xf32, #tpu.memory_space<hbm>> -> memref<100000x128xf32, #tpu.memory_space<hbm>>
      tpu.enqueue_indirect_dma source(%dma_start3A_340 : memref<100000x128xf32, #tpu.memory_space<hbm>>) target(%dma_start3A_336 : memref<50x128xf32, #tpu.memory_space<vmem>>) offsets(%dma_start3A_337 : memref<50xi32, #tpu.memory_space<vmem>>) semaphore(%arg9 : memref<!tpu.dma_semaphore, #tpu.memory_space<semaphore_mem>>)
      %mul3A_341 = arith.constant 8 : i32
      %mul3A_342 = arith.muli %add3A_250, %mul3A_341 : i32
      %add3A_343 = arith.constant 6 : i32
      %add3A_344 = arith.addi %mul3A_342, %add3A_343 : i32
      %mul3A_345 = arith.constant 56 : i32
      %mul3A_346 = arith.muli %add3A_344, %mul3A_345 : i32
      %dma_start3A_347 = arith.constant 6 : i32
      %dma_start3A_348 = arith.constant 0 : i32
      %dma_start3A_349 = arith.constant 0 : i32
      %dma_start3A_350 = tpu.memref_slice %arg7[%dma_start3A_347, %dma_start3A_348, %dma_start3A_349] : memref<8x50x128xf32, #tpu.memory_space<vmem>> -> memref<1x50x128xf32, #tpu.memory_space<vmem>>
      %dma_start3A_351 = tpu.memref_squeeze %dma_start3A_350 : memref<1x50x128xf32, #tpu.memory_space<vmem>> -> memref<50x128xf32, #tpu.memory_space<vmem>>
      %dma_start3A_352 = tpu.memref_slice %arg5[%mul3A_346] : memref<7168xi32, #tpu.memory_space<vmem>> -> memref<50xi32, #tpu.memory_space<vmem>>
      %dma_start3A_353 = arith.constant 0 : i32
      %dma_start3A_354 = arith.constant 0 : i32
      %dma_start3A_355 = tpu.memref_slice %arg3[%dma_start3A_353, %dma_start3A_354] : memref<100000x128xf32, #tpu.memory_space<hbm>> -> memref<100000x128xf32, #tpu.memory_space<hbm>>
      tpu.enqueue_indirect_dma source(%dma_start3A_355 : memref<100000x128xf32, #tpu.memory_space<hbm>>) target(%dma_start3A_351 : memref<50x128xf32, #tpu.memory_space<vmem>>) offsets(%dma_start3A_352 : memref<50xi32, #tpu.memory_space<vmem>>) semaphore(%arg9 : memref<!tpu.dma_semaphore, #tpu.memory_space<semaphore_mem>>)
      %mul3A_356 = arith.constant 8 : i32
      %mul3A_357 = arith.muli %add3A_250, %mul3A_356 : i32
      %add3A_358 = arith.constant 7 : i32
      %add3A_359 = arith.addi %mul3A_357, %add3A_358 : i32
      %mul3A_360 = arith.constant 56 : i32
      %mul3A_361 = arith.muli %add3A_359, %mul3A_360 : i32
      %dma_start3A_362 = arith.constant 7 : i32
      %dma_start3A_363 = arith.constant 0 : i32
      %dma_start3A_364 = arith.constant 0 : i32
      %dma_start3A_365 = tpu.memref_slice %arg7[%dma_start3A_362, %dma_start3A_363, %dma_start3A_364] : memref<8x50x128xf32, #tpu.memory_space<vmem>> -> memref<1x50x128xf32, #tpu.memory_space<vmem>>
      %dma_start3A_366 = tpu.memref_squeeze %dma_start3A_365 : memref<1x50x128xf32, #tpu.memory_space<vmem>> -> memref<50x128xf32, #tpu.memory_space<vmem>>
      %dma_start3A_367 = tpu.memref_slice %arg5[%mul3A_361] : memref<7168xi32, #tpu.memory_space<vmem>> -> memref<50xi32, #tpu.memory_space<vmem>>
      %dma_start3A_368 = arith.constant 0 : i32
      %dma_start3A_369 = arith.constant 0 : i32
      %dma_start3A_370 = tpu.memref_slice %arg3[%dma_start3A_368, %dma_start3A_369] : memref<100000x128xf32, #tpu.memory_space<hbm>> -> memref<100000x128xf32, #tpu.memory_space<hbm>>
      tpu.enqueue_indirect_dma source(%dma_start3A_370 : memref<100000x128xf32, #tpu.memory_space<hbm>>) target(%dma_start3A_366 : memref<50x128xf32, #tpu.memory_space<vmem>>) offsets(%dma_start3A_367 : memref<50xi32, #tpu.memory_space<vmem>>) semaphore(%arg9 : memref<!tpu.dma_semaphore, #tpu.memory_space<semaphore_mem>>)
      %mul3A_371 = arith.constant 8 : i32
      %mul3A_372 = arith.muli %mul3A_168, %mul3A_371 : i32
      %add3A_373 = arith.addi %mul3A_2, %mul3A_372 : i32
      %dma_start3A_374 = arith.constant 0 : i32
      %dma_start3A_375 = arith.constant 0 : i32
      %dma_start3A_376 = tpu.memref_slice %arg4[%add3A_373, %dma_start3A_374, %dma_start3A_375] : memref<4096x50x128xf32, #tpu.memory_space<hbm>> -> memref<8x50x128xf32, #tpu.memory_space<hbm>>
      %dma_start3A_377 = arith.constant 0 : i32
      %dma_start3A_378 = arith.constant 0 : i32
      %dma_start3A_379 = tpu.memref_slice %arg4[%add3A_373, %dma_start3A_377, %dma_start3A_378] : memref<4096x50x128xf32, #tpu.memory_space<hbm>> -> memref<8x50x128xf32, #tpu.memory_space<hbm>>
      tpu.enqueue_dma source(%arg6 : memref<8x50x128xf32, #tpu.memory_space<vmem>>) target(%dma_start3A_379 : memref<8x50x128xf32, #tpu.memory_space<hbm>>) target_semaphore(%arg10 : memref<!tpu.dma_semaphore, #tpu.memory_space<semaphore_mem>>)
      %dma_wait3A_380 = arith.constant 0 : i32
      %dma_wait3A_381 = arith.constant 0 : i32
      %dma_wait3A_382 = arith.constant 0 : i32
      %dma_wait3A_383 = tpu.memref_slice %arg7[%dma_wait3A_380, %dma_wait3A_381, %dma_wait3A_382] : memref<8x50x128xf32, #tpu.memory_space<vmem>> -> memref<1x50x128xf32, #tpu.memory_space<vmem>>
      %dma_wait3A_384 = tpu.memref_squeeze %dma_wait3A_383 : memref<1x50x128xf32, #tpu.memory_space<vmem>> -> memref<50x128xf32, #tpu.memory_space<vmem>>
      %dma_wait3A_385 = arith.constant 0 : i32
      %dma_wait3A_386 = tpu.memref_slice %arg5[%dma_wait3A_385] : memref<7168xi32, #tpu.memory_space<vmem>> -> memref<50xi32, #tpu.memory_space<vmem>>
      %dma_wait3A_387 = arith.constant 0 : i32
      %dma_wait3A_388 = arith.constant 0 : i32
      %dma_wait3A_389 = tpu.memref_slice %arg3[%dma_wait3A_387, %dma_wait3A_388] : memref<100000x128xf32, #tpu.memory_space<hbm>> -> memref<100000x128xf32, #tpu.memory_space<hbm>>
      tpu.wait_indirect_dma semaphore(%arg9 : memref<!tpu.dma_semaphore, #tpu.memory_space<semaphore_mem>>) src(%dma_wait3A_389 : memref<100000x128xf32, #tpu.memory_space<hbm>>) dst(%dma_wait3A_384 : memref<50x128xf32, #tpu.memory_space<vmem>>)
      %dma_wait3A_390 = arith.constant 1 : i32
      %dma_wait3A_391 = arith.constant 0 : i32
      %dma_wait3A_392 = arith.constant 0 : i32
      %dma_wait3A_393 = tpu.memref_slice %arg7[%dma_wait3A_390, %dma_wait3A_391, %dma_wait3A_392] : memref<8x50x128xf32, #tpu.memory_space<vmem>> -> memref<1x50x128xf32, #tpu.memory_space<vmem>>
      %dma_wait3A_394 = tpu.memref_squeeze %dma_wait3A_393 : memref<1x50x128xf32, #tpu.memory_space<vmem>> -> memref<50x128xf32, #tpu.memory_space<vmem>>
      %dma_wait3A_395 = arith.constant 56 : i32
      %dma_wait3A_396 = tpu.memref_slice %arg5[%dma_wait3A_395] : memref<7168xi32, #tpu.memory_space<vmem>> -> memref<50xi32, #tpu.memory_space<vmem>>
      %dma_wait3A_397 = arith.constant 0 : i32
      %dma_wait3A_398 = arith.constant 0 : i32
      %dma_wait3A_399 = tpu.memref_slice %arg3[%dma_wait3A_397, %dma_wait3A_398] : memref<100000x128xf32, #tpu.memory_space<hbm>> -> memref<100000x128xf32, #tpu.memory_space<hbm>>
      tpu.wait_indirect_dma semaphore(%arg9 : memref<!tpu.dma_semaphore, #tpu.memory_space<semaphore_mem>>) src(%dma_wait3A_399 : memref<100000x128xf32, #tpu.memory_space<hbm>>) dst(%dma_wait3A_394 : memref<50x128xf32, #tpu.memory_space<vmem>>)
      %dma_wait3A_400 = arith.constant 2 : i32
      %dma_wait3A_401 = arith.constant 0 : i32
      %dma_wait3A_402 = arith.constant 0 : i32
      %dma_wait3A_403 = tpu.memref_slice %arg7[%dma_wait3A_400, %dma_wait3A_401, %dma_wait3A_402] : memref<8x50x128xf32, #tpu.memory_space<vmem>> -> memref<1x50x128xf32, #tpu.memory_space<vmem>>
      %dma_wait3A_404 = tpu.memref_squeeze %dma_wait3A_403 : memref<1x50x128xf32, #tpu.memory_space<vmem>> -> memref<50x128xf32, #tpu.memory_space<vmem>>
      %dma_wait3A_405 = arith.constant 112 : i32
      %dma_wait3A_406 = tpu.memref_slice %arg5[%dma_wait3A_405] : memref<7168xi32, #tpu.memory_space<vmem>> -> memref<50xi32, #tpu.memory_space<vmem>>
      %dma_wait3A_407 = arith.constant 0 : i32
      %dma_wait3A_408 = arith.constant 0 : i32
      %dma_wait3A_409 = tpu.memref_slice %arg3[%dma_wait3A_407, %dma_wait3A_408] : memref<100000x128xf32, #tpu.memory_space<hbm>> -> memref<100000x128xf32, #tpu.memory_space<hbm>>
      tpu.wait_indirect_dma semaphore(%arg9 : memref<!tpu.dma_semaphore, #tpu.memory_space<semaphore_mem>>) src(%dma_wait3A_409 : memref<100000x128xf32, #tpu.memory_space<hbm>>) dst(%dma_wait3A_404 : memref<50x128xf32, #tpu.memory_space<vmem>>)
      %dma_wait3A_410 = arith.constant 3 : i32
      %dma_wait3A_411 = arith.constant 0 : i32
      %dma_wait3A_412 = arith.constant 0 : i32
      %dma_wait3A_413 = tpu.memref_slice %arg7[%dma_wait3A_410, %dma_wait3A_411, %dma_wait3A_412] : memref<8x50x128xf32, #tpu.memory_space<vmem>> -> memref<1x50x128xf32, #tpu.memory_space<vmem>>
      %dma_wait3A_414 = tpu.memref_squeeze %dma_wait3A_413 : memref<1x50x128xf32, #tpu.memory_space<vmem>> -> memref<50x128xf32, #tpu.memory_space<vmem>>
      %dma_wait3A_415 = arith.constant 168 : i32
      %dma_wait3A_416 = tpu.memref_slice %arg5[%dma_wait3A_415] : memref<7168xi32, #tpu.memory_space<vmem>> -> memref<50xi32, #tpu.memory_space<vmem>>
      %dma_wait3A_417 = arith.constant 0 : i32
      %dma_wait3A_418 = arith.constant 0 : i32
      %dma_wait3A_419 = tpu.memref_slice %arg3[%dma_wait3A_417, %dma_wait3A_418] : memref<100000x128xf32, #tpu.memory_space<hbm>> -> memref<100000x128xf32, #tpu.memory_space<hbm>>
      tpu.wait_indirect_dma semaphore(%arg9 : memref<!tpu.dma_semaphore, #tpu.memory_space<semaphore_mem>>) src(%dma_wait3A_419 : memref<100000x128xf32, #tpu.memory_space<hbm>>) dst(%dma_wait3A_414 : memref<50x128xf32, #tpu.memory_space<vmem>>)
      %dma_wait3A_420 = arith.constant 4 : i32
      %dma_wait3A_421 = arith.constant 0 : i32
      %dma_wait3A_422 = arith.constant 0 : i32
      %dma_wait3A_423 = tpu.memref_slice %arg7[%dma_wait3A_420, %dma_wait3A_421, %dma_wait3A_422] : memref<8x50x128xf32, #tpu.memory_space<vmem>> -> memref<1x50x128xf32, #tpu.memory_space<vmem>>
      %dma_wait3A_424 = tpu.memref_squeeze %dma_wait3A_423 : memref<1x50x128xf32, #tpu.memory_space<vmem>> -> memref<50x128xf32, #tpu.memory_space<vmem>>
      %dma_wait3A_425 = arith.constant 224 : i32
      %dma_wait3A_426 = tpu.memref_slice %arg5[%dma_wait3A_425] : memref<7168xi32, #tpu.memory_space<vmem>> -> memref<50xi32, #tpu.memory_space<vmem>>
      %dma_wait3A_427 = arith.constant 0 : i32
      %dma_wait3A_428 = arith.constant 0 : i32
      %dma_wait3A_429 = tpu.memref_slice %arg3[%dma_wait3A_427, %dma_wait3A_428] : memref<100000x128xf32, #tpu.memory_space<hbm>> -> memref<100000x128xf32, #tpu.memory_space<hbm>>
      tpu.wait_indirect_dma semaphore(%arg9 : memref<!tpu.dma_semaphore, #tpu.memory_space<semaphore_mem>>) src(%dma_wait3A_429 : memref<100000x128xf32, #tpu.memory_space<hbm>>) dst(%dma_wait3A_424 : memref<50x128xf32, #tpu.memory_space<vmem>>)
      %dma_wait3A_430 = arith.constant 5 : i32
      %dma_wait3A_431 = arith.constant 0 : i32
      %dma_wait3A_432 = arith.constant 0 : i32
      %dma_wait3A_433 = tpu.memref_slice %arg7[%dma_wait3A_430, %dma_wait3A_431, %dma_wait3A_432] : memref<8x50x128xf32, #tpu.memory_space<vmem>> -> memref<1x50x128xf32, #tpu.memory_space<vmem>>
      %dma_wait3A_434 = tpu.memref_squeeze %dma_wait3A_433 : memref<1x50x128xf32, #tpu.memory_space<vmem>> -> memref<50x128xf32, #tpu.memory_space<vmem>>
      %dma_wait3A_435 = arith.constant 280 : i32
      %dma_wait3A_436 = tpu.memref_slice %arg5[%dma_wait3A_435] : memref<7168xi32, #tpu.memory_space<vmem>> -> memref<50xi32, #tpu.memory_space<vmem>>
      %dma_wait3A_437 = arith.constant 0 : i32
      %dma_wait3A_438 = arith.constant 0 : i32
      %dma_wait3A_439 = tpu.memref_slice %arg3[%dma_wait3A_437, %dma_wait3A_438] : memref<100000x128xf32, #tpu.memory_space<hbm>> -> memref<100000x128xf32, #tpu.memory_space<hbm>>
      tpu.wait_indirect_dma semaphore(%arg9 : memref<!tpu.dma_semaphore, #tpu.memory_space<semaphore_mem>>) src(%dma_wait3A_439 : memref<100000x128xf32, #tpu.memory_space<hbm>>) dst(%dma_wait3A_434 : memref<50x128xf32, #tpu.memory_space<vmem>>)
      %dma_wait3A_440 = arith.constant 6 : i32
      %dma_wait3A_441 = arith.constant 0 : i32
      %dma_wait3A_442 = arith.constant 0 : i32
      %dma_wait3A_443 = tpu.memref_slice %arg7[%dma_wait3A_440, %dma_wait3A_441, %dma_wait3A_442] : memref<8x50x128xf32, #tpu.memory_space<vmem>> -> memref<1x50x128xf32, #tpu.memory_space<vmem>>
      %dma_wait3A_444 = tpu.memref_squeeze %dma_wait3A_443 : memref<1x50x128xf32, #tpu.memory_space<vmem>> -> memref<50x128xf32, #tpu.memory_space<vmem>>
      %dma_wait3A_445 = arith.constant 336 : i32
      %dma_wait3A_446 = tpu.memref_slice %arg5[%dma_wait3A_445] : memref<7168xi32, #tpu.memory_space<vmem>> -> memref<50xi32, #tpu.memory_space<vmem>>
      %dma_wait3A_447 = arith.constant 0 : i32
      %dma_wait3A_448 = arith.constant 0 : i32
      %dma_wait3A_449 = tpu.memref_slice %arg3[%dma_wait3A_447, %dma_wait3A_448] : memref<100000x128xf32, #tpu.memory_space<hbm>> -> memref<100000x128xf32, #tpu.memory_space<hbm>>
      tpu.wait_indirect_dma semaphore(%arg9 : memref<!tpu.dma_semaphore, #tpu.memory_space<semaphore_mem>>) src(%dma_wait3A_449 : memref<100000x128xf32, #tpu.memory_space<hbm>>) dst(%dma_wait3A_444 : memref<50x128xf32, #tpu.memory_space<vmem>>)
      %dma_wait3A_450 = arith.constant 7 : i32
      %dma_wait3A_451 = arith.constant 0 : i32
      %dma_wait3A_452 = arith.constant 0 : i32
      %dma_wait3A_453 = tpu.memref_slice %arg7[%dma_wait3A_450, %dma_wait3A_451, %dma_wait3A_452] : memref<8x50x128xf32, #tpu.memory_space<vmem>> -> memref<1x50x128xf32, #tpu.memory_space<vmem>>
      %dma_wait3A_454 = tpu.memref_squeeze %dma_wait3A_453 : memref<1x50x128xf32, #tpu.memory_space<vmem>> -> memref<50x128xf32, #tpu.memory_space<vmem>>
      %dma_wait3A_455 = arith.constant 392 : i32
      %dma_wait3A_456 = tpu.memref_slice %arg5[%dma_wait3A_455] : memref<7168xi32, #tpu.memory_space<vmem>> -> memref<50xi32, #tpu.memory_space<vmem>>
      %dma_wait3A_457 = arith.constant 0 : i32
      %dma_wait3A_458 = arith.constant 0 : i32
      %dma_wait3A_459 = tpu.memref_slice %arg3[%dma_wait3A_457, %dma_wait3A_458] : memref<100000x128xf32, #tpu.memory_space<hbm>> -> memref<100000x128xf32, #tpu.memory_space<hbm>>
      tpu.wait_indirect_dma semaphore(%arg9 : memref<!tpu.dma_semaphore, #tpu.memory_space<semaphore_mem>>) src(%dma_wait3A_459 : memref<100000x128xf32, #tpu.memory_space<hbm>>) dst(%dma_wait3A_454 : memref<50x128xf32, #tpu.memory_space<vmem>>)
      %dma_wait3A_460 = arith.constant 0 : i32
      %dma_wait3A_461 = arith.constant 0 : i32
      %dma_wait3A_462 = tpu.memref_slice %arg4[%mul3A_2, %dma_wait3A_460, %dma_wait3A_461] : memref<4096x50x128xf32, #tpu.memory_space<hbm>> -> memref<8x50x128xf32, #tpu.memory_space<hbm>>
      %dma_wait3A_463 = arith.constant 0 : i32
      %dma_wait3A_464 = arith.constant 0 : i32
      %dma_wait3A_465 = tpu.memref_slice %arg4[%mul3A_2, %dma_wait3A_463, %dma_wait3A_464] : memref<4096x50x128xf32, #tpu.memory_space<hbm>> -> memref<8x50x128xf32, #tpu.memory_space<hbm>>
      tpu.wait_dma2 semaphore(%arg10 : memref<!tpu.dma_semaphore, #tpu.memory_space<semaphore_mem>>) src(%arg6 : memref<8x50x128xf32, #tpu.memory_space<vmem>>) dst(%dma_wait3A_465 : memref<8x50x128xf32, #tpu.memory_space<hbm>>)
      %add3A_466 = arith.constant 2 : i32
      %add3A_467 = arith.addi %mul3A_168, %add3A_466 : i32
      %rem3A = arith.constant 16 : i32
      %rem3A_468 = arith.remsi %add3A_467, %rem3A : i32
      %mul3A_469 = arith.constant 8 : i32
      %mul3A_470 = arith.muli %rem3A_468, %mul3A_469 : i32
      %add3A_471 = arith.constant 0 : i32
      %add3A_472 = arith.addi %mul3A_470, %add3A_471 : i32
      %mul3A_473 = arith.constant 56 : i32
      %mul3A_474 = arith.muli %add3A_472, %mul3A_473 : i32
      %dma_start3A_475 = arith.constant 0 : i32
      %dma_start3A_476 = arith.constant 0 : i32
      %dma_start3A_477 = arith.constant 0 : i32
      %dma_start3A_478 = tpu.memref_slice %arg6[%dma_start3A_475, %dma_start3A_476, %dma_start3A_477] : memref<8x50x128xf32, #tpu.memory_space<vmem>> -> memref<1x50x128xf32, #tpu.memory_space<vmem>>
      %dma_start3A_479 = tpu.memref_squeeze %dma_start3A_478 : memref<1x50x128xf32, #tpu.memory_space<vmem>> -> memref<50x128xf32, #tpu.memory_space<vmem>>
      %dma_start3A_480 = tpu.memref_slice %arg5[%mul3A_474] : memref<7168xi32, #tpu.memory_space<vmem>> -> memref<50xi32, #tpu.memory_space<vmem>>
      %dma_start3A_481 = arith.constant 0 : i32
      %dma_start3A_482 = arith.constant 0 : i32
      %dma_start3A_483 = tpu.memref_slice %arg3[%dma_start3A_481, %dma_start3A_482] : memref<100000x128xf32, #tpu.memory_space<hbm>> -> memref<100000x128xf32, #tpu.memory_space<hbm>>
      tpu.enqueue_indirect_dma source(%dma_start3A_483 : memref<100000x128xf32, #tpu.memory_space<hbm>>) target(%dma_start3A_479 : memref<50x128xf32, #tpu.memory_space<vmem>>) offsets(%dma_start3A_480 : memref<50xi32, #tpu.memory_space<vmem>>) semaphore(%arg8 : memref<!tpu.dma_semaphore, #tpu.memory_space<semaphore_mem>>)
      %mul3A_484 = arith.constant 8 : i32
      %mul3A_485 = arith.muli %rem3A_468, %mul3A_484 : i32
      %add3A_486 = arith.constant 1 : i32
      %add3A_487 = arith.addi %mul3A_485, %add3A_486 : i32
      %mul3A_488 = arith.constant 56 : i32
      %mul3A_489 = arith.muli %add3A_487, %mul3A_488 : i32
      %dma_start3A_490 = arith.constant 1 : i32
      %dma_start3A_491 = arith.constant 0 : i32
      %dma_start3A_492 = arith.constant 0 : i32
      %dma_start3A_493 = tpu.memref_slice %arg6[%dma_start3A_490, %dma_start3A_491, %dma_start3A_492] : memref<8x50x128xf32, #tpu.memory_space<vmem>> -> memref<1x50x128xf32, #tpu.memory_space<vmem>>
      %dma_start3A_494 = tpu.memref_squeeze %dma_start3A_493 : memref<1x50x128xf32, #tpu.memory_space<vmem>> -> memref<50x128xf32, #tpu.memory_space<vmem>>
      %dma_start3A_495 = tpu.memref_slice %arg5[%mul3A_489] : memref<7168xi32, #tpu.memory_space<vmem>> -> memref<50xi32, #tpu.memory_space<vmem>>
      %dma_start3A_496 = arith.constant 0 : i32
      %dma_start3A_497 = arith.constant 0 : i32
      %dma_start3A_498 = tpu.memref_slice %arg3[%dma_start3A_496, %dma_start3A_497] : memref<100000x128xf32, #tpu.memory_space<hbm>> -> memref<100000x128xf32, #tpu.memory_space<hbm>>
      tpu.enqueue_indirect_dma source(%dma_start3A_498 : memref<100000x128xf32, #tpu.memory_space<hbm>>) target(%dma_start3A_494 : memref<50x128xf32, #tpu.memory_space<vmem>>) offsets(%dma_start3A_495 : memref<50xi32, #tpu.memory_space<vmem>>) semaphore(%arg8 : memref<!tpu.dma_semaphore, #tpu.memory_space<semaphore_mem>>)
      %mul3A_499 = arith.constant 8 : i32
      %mul3A_500 = arith.muli %rem3A_468, %mul3A_499 : i32
      %add3A_501 = arith.constant 2 : i32
      %add3A_502 = arith.addi %mul3A_500, %add3A_501 : i32
      %mul3A_503 = arith.constant 56 : i32
      %mul3A_504 = arith.muli %add3A_502, %mul3A_503 : i32
      %dma_start3A_505 = arith.constant 2 : i32
      %dma_start3A_506 = arith.constant 0 : i32
      %dma_start3A_507 = arith.constant 0 : i32
      %dma_start3A_508 = tpu.memref_slice %arg6[%dma_start3A_505, %dma_start3A_506, %dma_start3A_507] : memref<8x50x128xf32, #tpu.memory_space<vmem>> -> memref<1x50x128xf32, #tpu.memory_space<vmem>>
      %dma_start3A_509 = tpu.memref_squeeze %dma_start3A_508 : memref<1x50x128xf32, #tpu.memory_space<vmem>> -> memref<50x128xf32, #tpu.memory_space<vmem>>
      %dma_start3A_510 = tpu.memref_slice %arg5[%mul3A_504] : memref<7168xi32, #tpu.memory_space<vmem>> -> memref<50xi32, #tpu.memory_space<vmem>>
      %dma_start3A_511 = arith.constant 0 : i32
      %dma_start3A_512 = arith.constant 0 : i32
      %dma_start3A_513 = tpu.memref_slice %arg3[%dma_start3A_511, %dma_start3A_512] : memref<100000x128xf32, #tpu.memory_space<hbm>> -> memref<100000x128xf32, #tpu.memory_space<hbm>>
      tpu.enqueue_indirect_dma source(%dma_start3A_513 : memref<100000x128xf32, #tpu.memory_space<hbm>>) target(%dma_start3A_509 : memref<50x128xf32, #tpu.memory_space<vmem>>) offsets(%dma_start3A_510 : memref<50xi32, #tpu.memory_space<vmem>>) semaphore(%arg8 : memref<!tpu.dma_semaphore, #tpu.memory_space<semaphore_mem>>)
      %mul3A_514 = arith.constant 8 : i32
      %mul3A_515 = arith.muli %rem3A_468, %mul3A_514 : i32
      %add3A_516 = arith.constant 3 : i32
      %add3A_517 = arith.addi %mul3A_515, %add3A_516 : i32
      %mul3A_518 = arith.constant 56 : i32
      %mul3A_519 = arith.muli %add3A_517, %mul3A_518 : i32
      %dma_start3A_520 = arith.constant 3 : i32
      %dma_start3A_521 = arith.constant 0 : i32
      %dma_start3A_522 = arith.constant 0 : i32
      %dma_start3A_523 = tpu.memref_slice %arg6[%dma_start3A_520, %dma_start3A_521, %dma_start3A_522] : memref<8x50x128xf32, #tpu.memory_space<vmem>> -> memref<1x50x128xf32, #tpu.memory_space<vmem>>
      %dma_start3A_524 = tpu.memref_squeeze %dma_start3A_523 : memref<1x50x128xf32, #tpu.memory_space<vmem>> -> memref<50x128xf32, #tpu.memory_space<vmem>>
      %dma_start3A_525 = tpu.memref_slice %arg5[%mul3A_519] : memref<7168xi32, #tpu.memory_space<vmem>> -> memref<50xi32, #tpu.memory_space<vmem>>
      %dma_start3A_526 = arith.constant 0 : i32
      %dma_start3A_527 = arith.constant 0 : i32
      %dma_start3A_528 = tpu.memref_slice %arg3[%dma_start3A_526, %dma_start3A_527] : memref<100000x128xf32, #tpu.memory_space<hbm>> -> memref<100000x128xf32, #tpu.memory_space<hbm>>
      tpu.enqueue_indirect_dma source(%dma_start3A_528 : memref<100000x128xf32, #tpu.memory_space<hbm>>) target(%dma_start3A_524 : memref<50x128xf32, #tpu.memory_space<vmem>>) offsets(%dma_start3A_525 : memref<50xi32, #tpu.memory_space<vmem>>) semaphore(%arg8 : memref<!tpu.dma_semaphore, #tpu.memory_space<semaphore_mem>>)
      %mul3A_529 = arith.constant 8 : i32
      %mul3A_530 = arith.muli %rem3A_468, %mul3A_529 : i32
      %add3A_531 = arith.constant 4 : i32
      %add3A_532 = arith.addi %mul3A_530, %add3A_531 : i32
      %mul3A_533 = arith.constant 56 : i32
      %mul3A_534 = arith.muli %add3A_532, %mul3A_533 : i32
      %dma_start3A_535 = arith.constant 4 : i32
      %dma_start3A_536 = arith.constant 0 : i32
      %dma_start3A_537 = arith.constant 0 : i32
      %dma_start3A_538 = tpu.memref_slice %arg6[%dma_start3A_535, %dma_start3A_536, %dma_start3A_537] : memref<8x50x128xf32, #tpu.memory_space<vmem>> -> memref<1x50x128xf32, #tpu.memory_space<vmem>>
      %dma_start3A_539 = tpu.memref_squeeze %dma_start3A_538 : memref<1x50x128xf32, #tpu.memory_space<vmem>> -> memref<50x128xf32, #tpu.memory_space<vmem>>
      %dma_start3A_540 = tpu.memref_slice %arg5[%mul3A_534] : memref<7168xi32, #tpu.memory_space<vmem>> -> memref<50xi32, #tpu.memory_space<vmem>>
      %dma_start3A_541 = arith.constant 0 : i32
      %dma_start3A_542 = arith.constant 0 : i32
      %dma_start3A_543 = tpu.memref_slice %arg3[%dma_start3A_541, %dma_start3A_542] : memref<100000x128xf32, #tpu.memory_space<hbm>> -> memref<100000x128xf32, #tpu.memory_space<hbm>>
      tpu.enqueue_indirect_dma source(%dma_start3A_543 : memref<100000x128xf32, #tpu.memory_space<hbm>>) target(%dma_start3A_539 : memref<50x128xf32, #tpu.memory_space<vmem>>) offsets(%dma_start3A_540 : memref<50xi32, #tpu.memory_space<vmem>>) semaphore(%arg8 : memref<!tpu.dma_semaphore, #tpu.memory_space<semaphore_mem>>)
      %mul3A_544 = arith.constant 8 : i32
      %mul3A_545 = arith.muli %rem3A_468, %mul3A_544 : i32
      %add3A_546 = arith.constant 5 : i32
      %add3A_547 = arith.addi %mul3A_545, %add3A_546 : i32
      %mul3A_548 = arith.constant 56 : i32
      %mul3A_549 = arith.muli %add3A_547, %mul3A_548 : i32
      %dma_start3A_550 = arith.constant 5 : i32
      %dma_start3A_551 = arith.constant 0 : i32
      %dma_start3A_552 = arith.constant 0 : i32
      %dma_start3A_553 = tpu.memref_slice %arg6[%dma_start3A_550, %dma_start3A_551, %dma_start3A_552] : memref<8x50x128xf32, #tpu.memory_space<vmem>> -> memref<1x50x128xf32, #tpu.memory_space<vmem>>
      %dma_start3A_554 = tpu.memref_squeeze %dma_start3A_553 : memref<1x50x128xf32, #tpu.memory_space<vmem>> -> memref<50x128xf32, #tpu.memory_space<vmem>>
      %dma_start3A_555 = tpu.memref_slice %arg5[%mul3A_549] : memref<7168xi32, #tpu.memory_space<vmem>> -> memref<50xi32, #tpu.memory_space<vmem>>
      %dma_start3A_556 = arith.constant 0 : i32
      %dma_start3A_557 = arith.constant 0 : i32
      %dma_start3A_558 = tpu.memref_slice %arg3[%dma_start3A_556, %dma_start3A_557] : memref<100000x128xf32, #tpu.memory_space<hbm>> -> memref<100000x128xf32, #tpu.memory_space<hbm>>
      tpu.enqueue_indirect_dma source(%dma_start3A_558 : memref<100000x128xf32, #tpu.memory_space<hbm>>) target(%dma_start3A_554 : memref<50x128xf32, #tpu.memory_space<vmem>>) offsets(%dma_start3A_555 : memref<50xi32, #tpu.memory_space<vmem>>) semaphore(%arg8 : memref<!tpu.dma_semaphore, #tpu.memory_space<semaphore_mem>>)
      %mul3A_559 = arith.constant 8 : i32
      %mul3A_560 = arith.muli %rem3A_468, %mul3A_559 : i32
      %add3A_561 = arith.constant 6 : i32
      %add3A_562 = arith.addi %mul3A_560, %add3A_561 : i32
      %mul3A_563 = arith.constant 56 : i32
      %mul3A_564 = arith.muli %add3A_562, %mul3A_563 : i32
      %dma_start3A_565 = arith.constant 6 : i32
      %dma_start3A_566 = arith.constant 0 : i32
      %dma_start3A_567 = arith.constant 0 : i32
      %dma_start3A_568 = tpu.memref_slice %arg6[%dma_start3A_565, %dma_start3A_566, %dma_start3A_567] : memref<8x50x128xf32, #tpu.memory_space<vmem>> -> memref<1x50x128xf32, #tpu.memory_space<vmem>>
      %dma_start3A_569 = tpu.memref_squeeze %dma_start3A_568 : memref<1x50x128xf32, #tpu.memory_space<vmem>> -> memref<50x128xf32, #tpu.memory_space<vmem>>
      %dma_start3A_570 = tpu.memref_slice %arg5[%mul3A_564] : memref<7168xi32, #tpu.memory_space<vmem>> -> memref<50xi32, #tpu.memory_space<vmem>>
      %dma_start3A_571 = arith.constant 0 : i32
      %dma_start3A_572 = arith.constant 0 : i32
      %dma_start3A_573 = tpu.memref_slice %arg3[%dma_start3A_571, %dma_start3A_572] : memref<100000x128xf32, #tpu.memory_space<hbm>> -> memref<100000x128xf32, #tpu.memory_space<hbm>>
      tpu.enqueue_indirect_dma source(%dma_start3A_573 : memref<100000x128xf32, #tpu.memory_space<hbm>>) target(%dma_start3A_569 : memref<50x128xf32, #tpu.memory_space<vmem>>) offsets(%dma_start3A_570 : memref<50xi32, #tpu.memory_space<vmem>>) semaphore(%arg8 : memref<!tpu.dma_semaphore, #tpu.memory_space<semaphore_mem>>)
      %mul3A_574 = arith.constant 8 : i32
      %mul3A_575 = arith.muli %rem3A_468, %mul3A_574 : i32
      %add3A_576 = arith.constant 7 : i32
      %add3A_577 = arith.addi %mul3A_575, %add3A_576 : i32
      %mul3A_578 = arith.constant 56 : i32
      %mul3A_579 = arith.muli %add3A_577, %mul3A_578 : i32
      %dma_start3A_580 = arith.constant 7 : i32
      %dma_start3A_581 = arith.constant 0 : i32
      %dma_start3A_582 = arith.constant 0 : i32
      %dma_start3A_583 = tpu.memref_slice %arg6[%dma_start3A_580, %dma_start3A_581, %dma_start3A_582] : memref<8x50x128xf32, #tpu.memory_space<vmem>> -> memref<1x50x128xf32, #tpu.memory_space<vmem>>
      %dma_start3A_584 = tpu.memref_squeeze %dma_start3A_583 : memref<1x50x128xf32, #tpu.memory_space<vmem>> -> memref<50x128xf32, #tpu.memory_space<vmem>>
      %dma_start3A_585 = tpu.memref_slice %arg5[%mul3A_579] : memref<7168xi32, #tpu.memory_space<vmem>> -> memref<50xi32, #tpu.memory_space<vmem>>
      %dma_start3A_586 = arith.constant 0 : i32
      %dma_start3A_587 = arith.constant 0 : i32
      %dma_start3A_588 = tpu.memref_slice %arg3[%dma_start3A_586, %dma_start3A_587] : memref<100000x128xf32, #tpu.memory_space<hbm>> -> memref<100000x128xf32, #tpu.memory_space<hbm>>
      tpu.enqueue_indirect_dma source(%dma_start3A_588 : memref<100000x128xf32, #tpu.memory_space<hbm>>) target(%dma_start3A_584 : memref<50x128xf32, #tpu.memory_space<vmem>>) offsets(%dma_start3A_585 : memref<50xi32, #tpu.memory_space<vmem>>) semaphore(%arg8 : memref<!tpu.dma_semaphore, #tpu.memory_space<semaphore_mem>>)
      %add3A_589 = arith.constant 1 : i32
      %add3A_590 = arith.addi %mul3A_168, %add3A_589 : i32
      %mul3A_591 = arith.constant 8 : i32
      %mul3A_592 = arith.muli %add3A_590, %mul3A_591 : i32
      %add3A_593 = arith.addi %mul3A_2, %mul3A_592 : i32
      %dma_start3A_594 = arith.constant 0 : i32
      %dma_start3A_595 = arith.constant 0 : i32
      %dma_start3A_596 = tpu.memref_slice %arg4[%add3A_593, %dma_start3A_594, %dma_start3A_595] : memref<4096x50x128xf32, #tpu.memory_space<hbm>> -> memref<8x50x128xf32, #tpu.memory_space<hbm>>
      %dma_start3A_597 = arith.constant 0 : i32
      %dma_start3A_598 = arith.constant 0 : i32
      %dma_start3A_599 = tpu.memref_slice %arg4[%add3A_593, %dma_start3A_597, %dma_start3A_598] : memref<4096x50x128xf32, #tpu.memory_space<hbm>> -> memref<8x50x128xf32, #tpu.memory_space<hbm>>
      tpu.enqueue_dma source(%arg7 : memref<8x50x128xf32, #tpu.memory_space<vmem>>) target(%dma_start3A_599 : memref<8x50x128xf32, #tpu.memory_space<hbm>>) target_semaphore(%arg11 : memref<!tpu.dma_semaphore, #tpu.memory_space<semaphore_mem>>)
      %dma_wait3A_600 = arith.constant 0 : i32
      %dma_wait3A_601 = arith.constant 0 : i32
      %dma_wait3A_602 = tpu.memref_slice %arg4[%mul3A_2, %dma_wait3A_600, %dma_wait3A_601] : memref<4096x50x128xf32, #tpu.memory_space<hbm>> -> memref<8x50x128xf32, #tpu.memory_space<hbm>>
      %dma_wait3A_603 = arith.constant 0 : i32
      %dma_wait3A_604 = arith.constant 0 : i32
      %dma_wait3A_605 = tpu.memref_slice %arg4[%mul3A_2, %dma_wait3A_603, %dma_wait3A_604] : memref<4096x50x128xf32, #tpu.memory_space<hbm>> -> memref<8x50x128xf32, #tpu.memory_space<hbm>>
      tpu.wait_dma2 semaphore(%arg11 : memref<!tpu.dma_semaphore, #tpu.memory_space<semaphore_mem>>) src(%arg7 : memref<8x50x128xf32, #tpu.memory_space<vmem>>) dst(%dma_wait3A_605 : memref<8x50x128xf32, #tpu.memory_space<hbm>>)
    }
    %scan3A_86 = arith.constant 8 : i32
    %dma_wait3A = arith.constant 0 : i32
    %dma_wait3A_87 = arith.constant 0 : i32
    %dma_wait3A_88 = arith.constant 0 : i32
    %dma_wait3A_89 = tpu.memref_slice %arg6[%dma_wait3A, %dma_wait3A_87, %dma_wait3A_88] : memref<8x50x128xf32, #tpu.memory_space<vmem>> -> memref<1x50x128xf32, #tpu.memory_space<vmem>>
    %dma_wait3A_90 = tpu.memref_squeeze %dma_wait3A_89 : memref<1x50x128xf32, #tpu.memory_space<vmem>> -> memref<50x128xf32, #tpu.memory_space<vmem>>
    %dma_wait3A_91 = arith.constant 0 : i32
    %dma_wait3A_92 = tpu.memref_slice %arg5[%dma_wait3A_91] : memref<7168xi32, #tpu.memory_space<vmem>> -> memref<50xi32, #tpu.memory_space<vmem>>
    %dma_wait3A_93 = arith.constant 0 : i32
    %dma_wait3A_94 = arith.constant 0 : i32
    %dma_wait3A_95 = tpu.memref_slice %arg3[%dma_wait3A_93, %dma_wait3A_94] : memref<100000x128xf32, #tpu.memory_space<hbm>> -> memref<100000x128xf32, #tpu.memory_space<hbm>>
    tpu.wait_indirect_dma semaphore(%arg8 : memref<!tpu.dma_semaphore, #tpu.memory_space<semaphore_mem>>) src(%dma_wait3A_95 : memref<100000x128xf32, #tpu.memory_space<hbm>>) dst(%dma_wait3A_90 : memref<50x128xf32, #tpu.memory_space<vmem>>)
    %dma_wait3A_96 = arith.constant 1 : i32
    %dma_wait3A_97 = arith.constant 0 : i32
    %dma_wait3A_98 = arith.constant 0 : i32
    %dma_wait3A_99 = tpu.memref_slice %arg6[%dma_wait3A_96, %dma_wait3A_97, %dma_wait3A_98] : memref<8x50x128xf32, #tpu.memory_space<vmem>> -> memref<1x50x128xf32, #tpu.memory_space<vmem>>
    %dma_wait3A_100 = tpu.memref_squeeze %dma_wait3A_99 : memref<1x50x128xf32, #tpu.memory_space<vmem>> -> memref<50x128xf32, #tpu.memory_space<vmem>>
    %dma_wait3A_101 = arith.constant 56 : i32
    %dma_wait3A_102 = tpu.memref_slice %arg5[%dma_wait3A_101] : memref<7168xi32, #tpu.memory_space<vmem>> -> memref<50xi32, #tpu.memory_space<vmem>>
    %dma_wait3A_103 = arith.constant 0 : i32
    %dma_wait3A_104 = arith.constant 0 : i32
    %dma_wait3A_105 = tpu.memref_slice %arg3[%dma_wait3A_103, %dma_wait3A_104] : memref<100000x128xf32, #tpu.memory_space<hbm>> -> memref<100000x128xf32, #tpu.memory_space<hbm>>
    tpu.wait_indirect_dma semaphore(%arg8 : memref<!tpu.dma_semaphore, #tpu.memory_space<semaphore_mem>>) src(%dma_wait3A_105 : memref<100000x128xf32, #tpu.memory_space<hbm>>) dst(%dma_wait3A_100 : memref<50x128xf32, #tpu.memory_space<vmem>>)
    %dma_wait3A_106 = arith.constant 2 : i32
    %dma_wait3A_107 = arith.constant 0 : i32
    %dma_wait3A_108 = arith.constant 0 : i32
    %dma_wait3A_109 = tpu.memref_slice %arg6[%dma_wait3A_106, %dma_wait3A_107, %dma_wait3A_108] : memref<8x50x128xf32, #tpu.memory_space<vmem>> -> memref<1x50x128xf32, #tpu.memory_space<vmem>>
    %dma_wait3A_110 = tpu.memref_squeeze %dma_wait3A_109 : memref<1x50x128xf32, #tpu.memory_space<vmem>> -> memref<50x128xf32, #tpu.memory_space<vmem>>
    %dma_wait3A_111 = arith.constant 112 : i32
    %dma_wait3A_112 = tpu.memref_slice %arg5[%dma_wait3A_111] : memref<7168xi32, #tpu.memory_space<vmem>> -> memref<50xi32, #tpu.memory_space<vmem>>
    %dma_wait3A_113 = arith.constant 0 : i32
    %dma_wait3A_114 = arith.constant 0 : i32
    %dma_wait3A_115 = tpu.memref_slice %arg3[%dma_wait3A_113, %dma_wait3A_114] : memref<100000x128xf32, #tpu.memory_space<hbm>> -> memref<100000x128xf32, #tpu.memory_space<hbm>>
    tpu.wait_indirect_dma semaphore(%arg8 : memref<!tpu.dma_semaphore, #tpu.memory_space<semaphore_mem>>) src(%dma_wait3A_115 : memref<100000x128xf32, #tpu.memory_space<hbm>>) dst(%dma_wait3A_110 : memref<50x128xf32, #tpu.memory_space<vmem>>)
    %dma_wait3A_116 = arith.constant 3 : i32
    %dma_wait3A_117 = arith.constant 0 : i32
    %dma_wait3A_118 = arith.constant 0 : i32
    %dma_wait3A_119 = tpu.memref_slice %arg6[%dma_wait3A_116, %dma_wait3A_117, %dma_wait3A_118] : memref<8x50x128xf32, #tpu.memory_space<vmem>> -> memref<1x50x128xf32, #tpu.memory_space<vmem>>
    %dma_wait3A_120 = tpu.memref_squeeze %dma_wait3A_119 : memref<1x50x128xf32, #tpu.memory_space<vmem>> -> memref<50x128xf32, #tpu.memory_space<vmem>>
    %dma_wait3A_121 = arith.constant 168 : i32
    %dma_wait3A_122 = tpu.memref_slice %arg5[%dma_wait3A_121] : memref<7168xi32, #tpu.memory_space<vmem>> -> memref<50xi32, #tpu.memory_space<vmem>>
    %dma_wait3A_123 = arith.constant 0 : i32
    %dma_wait3A_124 = arith.constant 0 : i32
    %dma_wait3A_125 = tpu.memref_slice %arg3[%dma_wait3A_123, %dma_wait3A_124] : memref<100000x128xf32, #tpu.memory_space<hbm>> -> memref<100000x128xf32, #tpu.memory_space<hbm>>
    tpu.wait_indirect_dma semaphore(%arg8 : memref<!tpu.dma_semaphore, #tpu.memory_space<semaphore_mem>>) src(%dma_wait3A_125 : memref<100000x128xf32, #tpu.memory_space<hbm>>) dst(%dma_wait3A_120 : memref<50x128xf32, #tpu.memory_space<vmem>>)
    %dma_wait3A_126 = arith.constant 4 : i32
    %dma_wait3A_127 = arith.constant 0 : i32
    %dma_wait3A_128 = arith.constant 0 : i32
    %dma_wait3A_129 = tpu.memref_slice %arg6[%dma_wait3A_126, %dma_wait3A_127, %dma_wait3A_128] : memref<8x50x128xf32, #tpu.memory_space<vmem>> -> memref<1x50x128xf32, #tpu.memory_space<vmem>>
    %dma_wait3A_130 = tpu.memref_squeeze %dma_wait3A_129 : memref<1x50x128xf32, #tpu.memory_space<vmem>> -> memref<50x128xf32, #tpu.memory_space<vmem>>
    %dma_wait3A_131 = arith.constant 224 : i32
    %dma_wait3A_132 = tpu.memref_slice %arg5[%dma_wait3A_131] : memref<7168xi32, #tpu.memory_space<vmem>> -> memref<50xi32, #tpu.memory_space<vmem>>
    %dma_wait3A_133 = arith.constant 0 : i32
    %dma_wait3A_134 = arith.constant 0 : i32
    %dma_wait3A_135 = tpu.memref_slice %arg3[%dma_wait3A_133, %dma_wait3A_134] : memref<100000x128xf32, #tpu.memory_space<hbm>> -> memref<100000x128xf32, #tpu.memory_space<hbm>>
    tpu.wait_indirect_dma semaphore(%arg8 : memref<!tpu.dma_semaphore, #tpu.memory_space<semaphore_mem>>) src(%dma_wait3A_135 : memref<100000x128xf32, #tpu.memory_space<hbm>>) dst(%dma_wait3A_130 : memref<50x128xf32, #tpu.memory_space<vmem>>)
    %dma_wait3A_136 = arith.constant 5 : i32
    %dma_wait3A_137 = arith.constant 0 : i32
    %dma_wait3A_138 = arith.constant 0 : i32
    %dma_wait3A_139 = tpu.memref_slice %arg6[%dma_wait3A_136, %dma_wait3A_137, %dma_wait3A_138] : memref<8x50x128xf32, #tpu.memory_space<vmem>> -> memref<1x50x128xf32, #tpu.memory_space<vmem>>
    %dma_wait3A_140 = tpu.memref_squeeze %dma_wait3A_139 : memref<1x50x128xf32, #tpu.memory_space<vmem>> -> memref<50x128xf32, #tpu.memory_space<vmem>>
    %dma_wait3A_141 = arith.constant 280 : i32
    %dma_wait3A_142 = tpu.memref_slice %arg5[%dma_wait3A_141] : memref<7168xi32, #tpu.memory_space<vmem>> -> memref<50xi32, #tpu.memory_space<vmem>>
    %dma_wait3A_143 = arith.constant 0 : i32
    %dma_wait3A_144 = arith.constant 0 : i32
    %dma_wait3A_145 = tpu.memref_slice %arg3[%dma_wait3A_143, %dma_wait3A_144] : memref<100000x128xf32, #tpu.memory_space<hbm>> -> memref<100000x128xf32, #tpu.memory_space<hbm>>
    tpu.wait_indirect_dma semaphore(%arg8 : memref<!tpu.dma_semaphore, #tpu.memory_space<semaphore_mem>>) src(%dma_wait3A_145 : memref<100000x128xf32, #tpu.memory_space<hbm>>) dst(%dma_wait3A_140 : memref<50x128xf32, #tpu.memory_space<vmem>>)
    %dma_wait3A_146 = arith.constant 6 : i32
    %dma_wait3A_147 = arith.constant 0 : i32
    %dma_wait3A_148 = arith.constant 0 : i32
    %dma_wait3A_149 = tpu.memref_slice %arg6[%dma_wait3A_146, %dma_wait3A_147, %dma_wait3A_148] : memref<8x50x128xf32, #tpu.memory_space<vmem>> -> memref<1x50x128xf32, #tpu.memory_space<vmem>>
    %dma_wait3A_150 = tpu.memref_squeeze %dma_wait3A_149 : memref<1x50x128xf32, #tpu.memory_space<vmem>> -> memref<50x128xf32, #tpu.memory_space<vmem>>
    %dma_wait3A_151 = arith.constant 336 : i32
    %dma_wait3A_152 = tpu.memref_slice %arg5[%dma_wait3A_151] : memref<7168xi32, #tpu.memory_space<vmem>> -> memref<50xi32, #tpu.memory_space<vmem>>
    %dma_wait3A_153 = arith.constant 0 : i32
    %dma_wait3A_154 = arith.constant 0 : i32
    %dma_wait3A_155 = tpu.memref_slice %arg3[%dma_wait3A_153, %dma_wait3A_154] : memref<100000x128xf32, #tpu.memory_space<hbm>> -> memref<100000x128xf32, #tpu.memory_space<hbm>>
    tpu.wait_indirect_dma semaphore(%arg8 : memref<!tpu.dma_semaphore, #tpu.memory_space<semaphore_mem>>) src(%dma_wait3A_155 : memref<100000x128xf32, #tpu.memory_space<hbm>>) dst(%dma_wait3A_150 : memref<50x128xf32, #tpu.memory_space<vmem>>)
    %dma_wait3A_156 = arith.constant 7 : i32
    %dma_wait3A_157 = arith.constant 0 : i32
    %dma_wait3A_158 = arith.constant 0 : i32
    %dma_wait3A_159 = tpu.memref_slice %arg6[%dma_wait3A_156, %dma_wait3A_157, %dma_wait3A_158] : memref<8x50x128xf32, #tpu.memory_space<vmem>> -> memref<1x50x128xf32, #tpu.memory_space<vmem>>
    %dma_wait3A_160 = tpu.memref_squeeze %dma_wait3A_159 : memref<1x50x128xf32, #tpu.memory_space<vmem>> -> memref<50x128xf32, #tpu.memory_space<vmem>>
    %dma_wait3A_161 = arith.constant 392 : i32
    %dma_wait3A_162 = tpu.memref_slice %arg5[%dma_wait3A_161] : memref<7168xi32, #tpu.memory_space<vmem>> -> memref<50xi32, #tpu.memory_space<vmem>>
    %dma_wait3A_163 = arith.constant 0 : i32
    %dma_wait3A_164 = arith.constant 0 : i32
    %dma_wait3A_165 = tpu.memref_slice %arg3[%dma_wait3A_163, %dma_wait3A_164] : memref<100000x128xf32, #tpu.memory_space<hbm>> -> memref<100000x128xf32, #tpu.memory_space<hbm>>
    tpu.wait_indirect_dma semaphore(%arg8 : memref<!tpu.dma_semaphore, #tpu.memory_space<semaphore_mem>>) src(%dma_wait3A_165 : memref<100000x128xf32, #tpu.memory_space<hbm>>) dst(%dma_wait3A_160 : memref<50x128xf32, #tpu.memory_space<vmem>>)
    return
  }
}

</mosaic_0001>

<sc_bundles>
// kernel: kernel.3.cloned.1.call-start
scs
__scs_entry_jumppad:
0x0: {  	(pc) =	sbr.rel $0x88, $3  }
0x1: {  	(tag) =	ssettag $0x0;
	lr =	simm.s32 $0x1  }
0x2: {  	[smem:$0x3F9F] =	sst lr;
	_ =	strace $0xD0000000  }
0x3: {  	_ = 	snop  }
0x4: {  	_ = 	snop  }
0x5: {  	_ = 	snop  }
0x6: {  	_ = 	snop  }
0x7: {  	_ = 	snop  }
__scs_overlays_trampoline_lowered:
0x8: {  	[smem:$0x3FAE] =	sst s0  }
0x9: {  	[smem:$0x3FAF] =	sst s1  }
0xa: {  	[smem:$0x3FB0] =	sst s2  }
0xb: {  	[smem:$0x3FB1] =	sst s3  }
0xc: {  	[smem:$0x3FB2] =	sst s4  }
0xd: {  	[smem:$0x3FB3] =	sst s5  }
0xe: {  	[smem:$0x3FB4] =	sst s6  }
0xf: {  	[smem:$0x3FB5] =	sst s7  }
0x10: {  	[smem:$0x3FB6] =	sst s8  }
0x11: {  	[smem:$0x3FB7] =	sst s9;
	s0 =	simm.s32 @!p0 $0x0  }
0x12: {  	s1 =	sld [smem:$0x3F9D];
	s0 =	simm.s32 @p0 $0x1  }
0x13: {  	[smem:$0x3FB8] =	sst s0;
	s0 =	simm.s32 @!p1 $0x0  }
0x14: {  	s2 =	sld [smem:$0x3F9C];
	s0 =	simm.s32 @p1 $0x1  }
0x15: {  	[smem:$0x3FB9] =	sst s0;
	s0 =	simm.s32 @!p2 $0x0  }
0x16: {  	s3 =	sld [smem:$0x3FDB];
	s0 =	simm.s32 @p2 $0x1  }
0x17: {  	s4 =	simm.s32 $0x1BF5;
	[smem:$0x3FBB] =	sst s0  }
0x18: {  	s0 =	sld [smem:$0x3F9E];
	_ =	swait.ge [sflag:s4], $0x0  }
0x19: {  	s7 =	sld [smem:$0x3F9F]  }
0x1a: {  	s8 =	sadd.s32 $0xFFFFE003, lr  }
0x1b: {  	s9 =	sadd.s32 $0xFFFFFEF7, lr;
	s5 =	simm.s32 $0xFFFFFFFF;
	p2 =	slt.u32 s8, $0xFFFFF086  }
0x1c: {  	p1 =	slt.u32 s9, $0xF7A;
	s5 =	simm.s32 @!p2 $0x0  }
0x1d: {  	s5 =	simm.s32 @p1 $0x1;
	p0 =	seq.s32 s7, s2  }
0x1e: {  	s7 =	smul.u32 @!p0 $0xF7A, s2;
	p2 =	seq.s32 @!p0 s5, $0x0  }
0x1f: {  	s9 =	smul.u32 $0xF7A, s1;
	s8 =	simm.s32 @!p0 $0x1BF5;
	p2 =	por !p2, p0  }
0x20: {  	[sflag:s8] =	ssyncset.s32 @!p0 $0xFFFFF086;
	s6 =	sadd.s32 @!p0 s3, s7;
	s7 =	simm.s32 @!p0 $0x108  }
0x21: {  	s3 =	sadd.s32 s3, s9;
	s6 =	sadd.s32 @!p0 $0x88, s6;
	s7 =	simm.s32 @p2 $0x1082  }
0x22: {  	[simem:s7], [sflag:s8] =	dma.local @!p0 [hbm:s6], $0xF7A  }
0x23: {  	s9 =	sor.u32 $0xD0000000, s2;
	s6 =	simm.s32 $0x108;
	_ =	swait.ge @!p0 [sflag:s8], $0x0  }
0x24: {  	s3 =	sadd.s32 $0x88, s3;
	s6 =	simm.s32 @!p1 $0x1082;
	[sflag:s4] =	ssyncset.s32 $0xFFFFF086  }
0x25: {  	[simem:s6], [sflag:s4] =	dma.local [hbm:s3], $0xF7A  }
0x26: {  	[smem:$0x3F9F] =	sst s1;
	(tag) =	ssettag s2;
	_ =	strace s9  }
0x27: {  	s1 =	sld [smem:$0x3FAF]  }
0x28: {  	s2 =	sld [smem:$0x3FB0]  }
0x29: {  	s4 =	sld [smem:$0x3FB2]  }
0x2a: {  	p0 =	seq.s32 s5, $0x0;
	s5 =	sld [smem:$0x3FB3]  }
0x2b: {  	s6 =	sld [smem:$0x3FB4]  }
0x2c: {  	s7 =	sld [smem:$0x3FB5]  }
0x2d: {  	s3 =	simm.s32 $0x108;
	s8 =	sld [smem:$0x3FB6]  }
0x2e: {  	s3 =	simm.s32 @!p0 $0x1082;
	s9 =	sld [smem:$0x3FB7]  }
0x2f: {  	lr =	sadd.s32 s0, s3;
	s0 =	sld [smem:$0x3FAE]  }
0x30: {  	s3 =	sld [smem:$0x3FB1]  }
0x31: {  	[smem:$0x3FBA] =	sst s10  }
0x32: {  	s10 =	sld [smem:$0x3FB8];
	_ =	sdelay $0x3  }
0x33: {  	p0 =	seq.s32 s10, $0x1;
	s10 =	sld [smem:$0x3FBA];
	_ =	sdelay $0x3  }
0x34: {  	[smem:$0x3FBA] =	sst s10  }
0x35: {  	s10 =	sld [smem:$0x3FB9];
	_ =	sdelay $0x3  }
0x36: {  	p1 =	seq.s32 s10, $0x1;
	s10 =	sld [smem:$0x3FBA];
	_ =	sdelay $0x3  }
0x37: {  	[smem:$0x3FBA] =	sst s10  }
0x38: {  	s10 =	sld [smem:$0x3FBB]  }
0x39: {  	_ = 	snop;
	(pc) =	sbr.ind lr, $3  }
0x3a: {  	_ = 	snop  }
0x3b: {  	_ = 	snop  }
0x3c: {  	p2 =	seq.s32 s10, $0x1;
	s10 =	sld [smem:$0x3FBA]  }
0x3d: {  	_ =	shalt  }
0x3e: {  	_ =	shalt  }
0x3f: {  	_ =	shalt  }
0x40: {  	_ =	shalt  }
0x41: {  	_ =	shalt  }
0x42: {  	_ =	shalt  }
0x43: {  	_ =	shalt  }
0x44: {  	_ =	shalt  }
0x45: {  	_ =	shalt  }
0x46: {  	_ =	shalt  }
0x47: {  	_ =	shalt  }
0x48: {  	_ =	shalt  }
0x49: {  	_ =	shalt  }
0x4a: {  	_ =	shalt  }
0x4b: {  	_ =	shalt  }
0x4c: {  	_ =	shalt  }
0x4d: {  	_ =	shalt  }
0x4e: {  	_ =	shalt  }
0x4f: {  	_ =	shalt  }
0x50: {  	_ =	shalt  }
0x51: {  	_ =	shalt  }
0x52: {  	_ =	shalt  }
0x53: {  	_ =	shalt  }
0x54: {  	_ =	shalt  }
0x55: {  	_ =	shalt  }
0x56: {  	_ =	shalt  }
0x57: {  	_ =	shalt  }
0x58: {  	_ =	shalt  }
0x59: {  	_ =	shalt  }
0x5a: {  	_ =	shalt  }
0x5b: {  	_ =	shalt  }
0x5c: {  	_ =	shalt  }
0x5d: {  	_ =	shalt  }
0x5e: {  	_ =	shalt  }
0x5f: {  	_ =	shalt  }
0x60: {  	_ =	shalt  }
0x61: {  	_ =	shalt  }
0x62: {  	_ =	shalt  }
0x63: {  	_ =	shalt  }
0x64: {  	_ =	shalt  }
0x65: {  	_ =	shalt  }
0x66: {  	_ =	shalt  }
0x67: {  	_ =	shalt  }
0x68: {  	_ =	shalt  }
0x69: {  	_ =	shalt  }
0x6a: {  	_ =	shalt  }
0x6b: {  	_ =	shalt  }
0x6c: {  	_ =	shalt  }
0x6d: {  	_ =	shalt  }
0x6e: {  	_ =	shalt  }
0x6f: {  	_ =	shalt  }
0x70: {  	_ =	shalt  }
0x71: {  	_ =	shalt  }
0x72: {  	_ =	shalt  }
0x73: {  	_ =	shalt  }
0x74: {  	_ =	shalt  }
0x75: {  	_ =	shalt  }
0x76: {  	_ =	shalt  }
0x77: {  	_ =	shalt  }
0x78: {  	_ =	shalt  }
0x79: {  	_ =	shalt  }
0x7a: {  	_ =	shalt  }
0x7b: {  	_ =	shalt  }
0x7c: {  	_ =	shalt  }
0x7d: {  	_ =	shalt  }
0x7e: {  	_ =	shalt  }
0x7f: {  	_ =	shalt  }
0x80: {  	_ =	shalt  }
0x81: {  	_ =	shalt  }
0x82: {  	_ =	shalt  }
0x83: {  	_ =	shalt  }
0x84: {  	_ =	shalt  }
0x85: {  	_ =	shalt  }
0x86: {  	_ =	shalt  }
0x87: {  	_ =	shalt  }
.Lfunc_end0:
.L_simem_size_0:
called_computation_lowered:
.L_overlay_start_0:
0x88: {  	s2 =	sld [smem:$0x3FD9]  }
0x89: {  	s3 =	sld [smem:$0x3FFE];
	_ =	sdelay $0x1  }
0x8a: {  	s1 =	srdreg.scid  }
0x8b: {  	s0 =	sand.u32 $0x1, s1  }
0x8c: {  	s17 =	sshll.u32 s0, $0xA;
	s2 =	sadd.s32 s3, s2  }
0x8d: {  	s2 =	sadd.s32 s2, s17  }
0x8e: {  	[smem:$0x3FC6] =	sst s2  }
0x8f: {  	_ = 	snop  }
0x90: {  	s2 =	sld [smem:$0x3FC8]  }
0x91: {  	s18 =	sld [smem:$0x3FD0];
	(tm) =	ssettm $0x1  }
0x92: {  	s4 =	sld [smem:$0x3FFB];
	_ =	sdelay $0x3  }
0x93: {  	_ =	strace s4  }
0x94: {  	s4 =	sld [smem:$0x3FFC];
	_ =	sdelay $0x3  }
0x95: {  	_ =	strace s4  }
0x96: {  	s4 =	sld [smem:$0x3FFD];
	_ =	sdelay $0x3  }
0x97: {  	_ =	strace s4  }
0x98: {  	_ =	strace $0x8FFFFFFF  }
0x99: {  	s19 =	sld [smem:$0x3FDB];
	_ =	sdelay $0x1  }
0x9a: {  	s5 =	simm.s32 $_scs_section_size  }
0x9b: {  	s6 =	simm.s32 $_size__tile_overlayer_lowered;
	s7 =	simm.s32 $_tile_overlayer_lowered  }
0x9c: {  	s22 =	simm.s32 $0x1BFF;
	s21 =	sshll.u32 s7, $0x1;
	s4 =	sadd.s32 s5, s19  }
0x9d: {  	s8 =	simm.s32 $0x0;
	s20 =	sshll.u32 s6, $0x1;
	s6 =	sadd.s32 s21, s4  }
0x9e: {  	[timem:s8], [sflag:s22] =	dma.local [hbm:s6], s20  }
0x9f: {  	_ =	swait.ge [sflag:s22], s20  }
0xa0: {  	s5 =	ssub.s32 $0x0, s20;
	[sflag:s22] =	ssyncset.done $0x0  }
0xa1: {  	[sflag:s22] =	ssyncadd.s32 s5;
	_ =	sdelay $0x1  }
0xa2: {  	s23 =	simm.s32 $0x1B8B  }
0xa3: {  	_ =	swait.ge [sflag:s23], $0x1  }
0xa4: {  	[sflag:s23] =	ssyncset.done $0x0  }
0xa5: {  	s25 =	simm.s32 $0x1B8E;
	s24 =	sld [smem:$0x3FFE];
	[sflag:s23] =	ssyncadd.s32 $0xFFFFFFFF  }
0xa6: {  	s26 =	simm.s32 $execute0_lowered;
	[smem:$0x3FD2] =	sst s25  }
0xa7: {  	s6 =	sshll.u32 s26, $0x1;
	_ =	strace $0x80000046;
	[dreg:$0x1] =	wrdreg $0xFFFFFFFF  }
0xa8: {  	s28 =	simm.s32 $_size_execute0_lowered;
	s4 =	sadd.s32 s4, s6;
	[dreg:$0x0] =	wrdreg $0x0  }
0xa9: {  	s6 =	sshll.u32 s28, $0x1;
	[dreg:$0x2] =	wrdreg s4  }
0xaa: {  	[dreg:$0x3] =	wrdreg s6  }
0xab: {  	[dreg:$0x4] =	wrdreg $0xC0  }
0xac: {  	_ =	task [dreg:s8], $0x5FFFF  }
0xad: {  	[dreg:$0x1] =	wrdreg $0xFFFFFFFF  }
0xae: {  	[dreg:$0x0] =	wrdreg $0x60  }
0xaf: {  	[dreg:$0x2] =	wrdreg s18  }
0xb0: {  	[dreg:$0x3] =	wrdreg s2  }
0xb1: {  	[dreg:$0x4] =	wrdreg s24  }
0xb2: {  	[dreg:$0x5] =	wrdreg $0x9  }
0xb3: {  	_ =	task.clear_ibuf [dreg:s8], $0x6FFFF;
	_ =	strace $0x90000046  }
0xb4: {  	s29 =	simm.s32 $0x9;
	_ =	strace $0x80000048  }
0xb5: {  	_ =	swait.ge [sflag:s29], $0x1  }
0xb6: {  	[sflag:s29] =	ssyncadd.s32 $0xFFFFFFFF  }
0xb7: {  	_ =	strace $0x90000048  }
0xb8: {  	_ =	sfence  }
0xb9: {  	s30 =	sld [smem:$0x0];
	_ =	sdelay $0x2  }
0xba: {  	s31 =	sshll.u32 s1, $0xD;
	s1 =	sshrl.u32 s1, $0x2  }
0xbb: {  	s3 =	sand.u32 $0x4000, s31;
	s1 =	sadd.s32 s1, s30  }
0xbc: {  	s0 =	sor.u32 s3, s0;
	s1 =	sshll.u32 s1, $0x11  }
0xbd: {  	s0 =	sor.u32 s1, s0  }
0xbe: {  	s0 =	sadd.s32 $0x8F2B, s0  }
0xbf: {  	[sflag:s0] =	ssyncadd.remote.s32 $0x1  }
0xc0: {  	_ =	sfence.sel $0xFFFF  }
0xc1: {  	[dreg:$0x0] =	wrdreg $0xFFFFFFFF;
	(pc) =	sbr.abs _section_cstart, $3  }
0xc2: {  	[dreg:$0x1] =	wrdreg $0xFFFFFFFF  }
0xc3: {  	_ =	task.clear_ibuf [dreg:s8], $0x2FFFF;
	_ =	strace $0x9FFFFFFF  }
0xc4: {  	(tm) =	ssettm $0x7FFFFFFF  }
0xc5: {  	_ =	shalt  }
tec
execute0_lowered:
.L_overlay_start_1:
0x0: {  	(tag) =	ssettag $0x1  }
0x1: {  	s0 =	rddreg [dreg:$0x0]  }
0x2: {  	s1 =	rddreg [dreg:$0x1]  }
0x3: {  	s2 =	rddreg [dreg:$0x2];
	s3 =	simm.s32 $0x0  }
0x4: {  	s4 =	srdreg.scid;
	s8 =	stileid.u32;
	s10 =	simm.s32 $0x32  }
0x5: {  	s11 =	simm.s32 $0x1C00;
	s13 =	simm.s32 $0x3800;
	s15 =	simm.s32 $0x5400  }
0x6: {  	s17 =	simm.s32 $0x7000;
	s28 =	simm.s32 $0xFC00;
	s29 =	simm.s32 $0x11800  }
0x7: {  	s30 =	simm.s32 $0x13400;
	s31 =	simm.s32 $0x15000;
	s12 =	simm.s32 $0x2  }
0x8: {  	s14 =	simm.s32 $0x3;
	s16 =	simm.s32 $0x4;
	s18 =	simm.s32 $0x0  }
0x9: {  	[smem:$0x7FF] =	sst s3;
	s4 =	sand.u32 $0x1, s4;
	s5 =	sshll.u32 s8, $0x8  }
0xa: {  	s7 =	sshrl.u32 s8, $0x2;
	s20 =	smul.u32 $0x38000, s8;
	s8 =	simm.s32 $0x1C000  }
0xb: {  	s6 =	sshll.u32 s4, $0x7;
	_ =	strace $0x80000047;
	s19 =	smul.u32 $0xE000, s7  }
0xc: {  	s21 =	ssub.s32 $0x2, s4;
	s22 =	smul.u32 $0x1C000, s4;
	s7 =	simm.s32 $0x1A400  }
0xd: {  	s5 =	sor.u32 s6, s5;
	s9 =	sshrl.u32 s21, $0x1;
	s2 =	sadd.s32 s20, s2  }
0xe: {  	s5 =	sand.u32 $0x380, s5;
	s23 =	ssub.s32 s21, s9;
	s26 =	sadd.s32 s22, s2  }
0xf: {  	s9 =	simm.s32 $0x5;
	s21 =	simm.s32 $0xA800;
	s2 =	simm.s32 $0x18800  }
0x10: {  	s5 =	sor.u32 s19, s5;
	s25 =	smax.u32 s23, $0x1;
	s22 =	sadd.s32 $0x400, s26  }
0x11: {  	s19 =	simm.s32 $0x8C00;
	s23 =	simm.s32 $0xC400;
	s24 =	sshrl.u32 s5, $0x3  }
0x12: {  	s26 =	simm.s32 $0x1;
	[dreg:$0x5] =	wrdreg s25;
	s0 =	sadd.s32 s0, s24  }
0x13: {  	s25 =	simm.s32 $0xE000;
	[dreg:$0x4] =	wrdreg s0;
	s0 =	simm.s32 $0x16C00  }
.LBB2_1:
0x14: {  	s4 =	rddreg [dreg:$0x4];
	s5 =	simm.s32 $0x80;
	s6 =	simm.s32 $0x400  }
0x15: {  	[tilespmem:s3], [sflag:$0x5] =	stream.strided.gather [hbm4b:s4+s5], $0x1C00, s6, s5, $0x38;
	[tilespmem:$0x1DC00] =	vst v63  }
0x16: {  	_ =	swait.ge [sflag:s9], $0x1C00  }
0x17: {  	[sflag:s9] =	ssyncset.done $0x0  }
0x18: {  	[sflag:s9] =	ssyncadd.s32 $0xFFFFE400  }
0x19: {  	[tilespmem:s11], [sflag:$0x1] =	stream.indirect.gather [hbm4b:s1+s10], $0x80, s3, s10, $0xb8;
	[tilespmem:$0x1DC00] =	vst v63  }
0x1a: {  	s6 =	simm.s32 $0x38  }
0x1b: {  	[tilespmem:s13], [sflag:$0x1] =	stream.indirect.gather [hbm4b:s1+s10], $0x80, s6, s10, $0xb8;
	[tilespmem:$0x1DC00] =	vst v63  }
0x1c: {  	s20 =	simm.s32 $0x70  }
0x1d: {  	[tilespmem:s15], [sflag:$0x1] =	stream.indirect.gather [hbm4b:s1+s10], $0x80, s20, s10, $0xb8;
	[tilespmem:$0x1DC00] =	vst v63  }
0x1e: {  	s24 =	simm.s32 $0xA8  }
0x1f: {  	[tilespmem:s17], [sflag:$0x1] =	stream.indirect.gather [hbm4b:s1+s10], $0x80, s24, s10, $0xb8;
	[tilespmem:$0x1DC00] =	vst v63  }
0x20: {  	s5 =	simm.s32 $0xE0  }
0x21: {  	[tilespmem:s19], [sflag:$0x1] =	stream.indirect.gather [hbm4b:s1+s10], $0x80, s5, s10, $0xb8;
	[tilespmem:$0x1DC00] =	vst v63  }
0x22: {  	s6 =	simm.s32 $0x118  }
0x23: {  	[tilespmem:s21], [sflag:$0x1] =	stream.indirect.gather [hbm4b:s1+s10], $0x80, s6, s10, $0xb8;
	[tilespmem:$0x1DC00] =	vst v63  }
0x24: {  	s20 =	simm.s32 $0x150  }
0x25: {  	[tilespmem:s23], [sflag:$0x1] =	stream.indirect.gather [hbm4b:s1+s10], $0x80, s20, s10, $0xb8;
	[tilespmem:$0x1DC00] =	vst v63  }
0x26: {  	s24 =	simm.s32 $0x188  }
0x27: {  	[tilespmem:s25], [sflag:$0x1] =	stream.indirect.gather [hbm4b:s1+s10], $0x80, s24, s10, $0xb8;
	[tilespmem:$0x1DC00] =	vst v63  }
0x28: {  	_ =	swait.ge [sflag:s26], $0x1900  }
0x29: {  	[sflag:s26] =	ssyncset.done $0x0  }
0x2a: {  	[sflag:s26] =	ssyncadd.s32 $0xFFFFE700  }
0x2b: {  	_ =	swait.ge [sflag:s26], $0x1900  }
0x2c: {  	[sflag:s26] =	ssyncset.done $0x0  }
0x2d: {  	[sflag:s26] =	ssyncadd.s32 $0xFFFFE700  }
0x2e: {  	_ =	swait.ge [sflag:s26], $0x1900  }
0x2f: {  	[sflag:s26] =	ssyncset.done $0x0  }
0x30: {  	[sflag:s26] =	ssyncadd.s32 $0xFFFFE700  }
0x31: {  	_ =	swait.ge [sflag:s26], $0x1900  }
0x32: {  	[sflag:s26] =	ssyncset.done $0x0  }
0x33: {  	[sflag:s26] =	ssyncadd.s32 $0xFFFFE700  }
0x34: {  	_ =	swait.ge [sflag:s26], $0x1900  }
0x35: {  	[sflag:s26] =	ssyncset.done $0x0  }
0x36: {  	[sflag:s26] =	ssyncadd.s32 $0xFFFFE700  }
0x37: {  	_ =	swait.ge [sflag:s26], $0x1900  }
0x38: {  	[sflag:s26] =	ssyncset.done $0x0  }
0x39: {  	[sflag:s26] =	ssyncadd.s32 $0xFFFFE700  }
0x3a: {  	_ =	swait.ge [sflag:s26], $0x1900  }
0x3b: {  	[sflag:s26] =	ssyncset.done $0x0  }
0x3c: {  	[sflag:s26] =	ssyncadd.s32 $0xFFFFE700  }
0x3d: {  	_ =	swait.ge [sflag:s26], $0x1900  }
0x3e: {  	[sflag:s26] =	ssyncset.done $0x0  }
0x3f: {  	s5 =	simm.s32 $0x1C0;
	[sflag:s26] =	ssyncadd.s32 $0xFFFFE700  }
0x40: {  	[tilespmem:s28], [sflag:$0x2] =	stream.indirect.gather [hbm4b:s1+s10], $0x80, s5, s10, $0xb8;
	[tilespmem:$0x1DC00] =	vst v63  }
0x41: {  	s20 =	simm.s32 $0x1F8  }
0x42: {  	[tilespmem:s29], [sflag:$0x2] =	stream.indirect.gather [hbm4b:s1+s10], $0x80, s20, s10, $0xb8;
	[tilespmem:$0x1DC00] =	vst v63  }
0x43: {  	s24 =	simm.s32 $0x230  }
0x44: {  	[tilespmem:s30], [sflag:$0x2] =	stream.indirect.gather [hbm4b:s1+s10], $0x80, s24, s10, $0xb8;
	[tilespmem:$0x1DC00] =	vst v63  }
0x45: {  	s4 =	simm.s32 $0x268  }
0x46: {  	[tilespmem:s31], [sflag:$0x2] =	stream.indirect.gather [hbm4b:s1+s10], $0x80, s4, s10, $0xb8;
	[tilespmem:$0x1DC00] =	vst v63  }
0x47: {  	s5 =	simm.s32 $0x2A0  }
0x48: {  	[tilespmem:s0], [sflag:$0x2] =	stream.indirect.gather [hbm4b:s1+s10], $0x80, s5, s10, $0xb8;
	[tilespmem:$0x1DC00] =	vst v63  }
0x49: {  	s20 =	simm.s32 $0x2D8  }
0x4a: {  	[tilespmem:s2], [sflag:$0x2] =	stream.indirect.gather [hbm4b:s1+s10], $0x80, s20, s10, $0xb8;
	[tilespmem:$0x1DC00] =	vst v63  }
0x4b: {  	s24 =	simm.s32 $0x310  }
0x4c: {  	[tilespmem:s7], [sflag:$0x2] =	stream.indirect.gather [hbm4b:s1+s10], $0x80, s24, s10, $0xb8;
	[tilespmem:$0x1DC00] =	vst v63  }
0x4d: {  	s4 =	simm.s32 $0x348  }
0x4e: {  	[tilespmem:s8], [sflag:$0x2] =	stream.indirect.gather [hbm4b:s1+s10], $0x80, s4, s10, $0xb8;
	[tilespmem:$0x1DC00] =	vst v63  }
0x4f: {  	_ = 	snop  }
0x50: {  	[hbm4b:s22+s3] =	stream.linear.scatter [tilespmem:s11], [sflag:$0x3], $0x1900, $0x38;
	[tilespmem:$0x1DC00] =	vst v63  }
0x51: {  	s5 =	sadd.s32 $0x380, s22  }
0x52: {  	[hbm4b:s5+s3] =	stream.linear.scatter [tilespmem:s13], [sflag:$0x3], $0x1900, $0x38;
	[tilespmem:$0x1DC00] =	vst v63  }
0x53: {  	s20 =	sadd.s32 $0x700, s22  }
0x54: {  	[hbm4b:s20+s3] =	stream.linear.scatter [tilespmem:s15], [sflag:$0x3], $0x1900, $0x38;
	[tilespmem:$0x1DC00] =	vst v63  }
0x55: {  	s24 =	sadd.s32 $0xA80, s22  }
0x56: {  	[hbm4b:s24+s3] =	stream.linear.scatter [tilespmem:s17], [sflag:$0x3], $0x1900, $0x38;
	[tilespmem:$0x1DC00] =	vst v63  }
0x57: {  	s4 =	sadd.s32 $0xE00, s22  }
0x58: {  	[hbm4b:s4+s3] =	stream.linear.scatter [tilespmem:s19], [sflag:$0x3], $0x1900, $0x38;
	[tilespmem:$0x1DC00] =	vst v63  }
0x59: {  	s5 =	sadd.s32 $0x1180, s22  }
0x5a: {  	[hbm4b:s5+s3] =	stream.linear.scatter [tilespmem:s21], [sflag:$0x3], $0x1900, $0x38;
	[tilespmem:$0x1DC00] =	vst v63  }
0x5b: {  	s20 =	sadd.s32 $0x1500, s22  }
0x5c: {  	[hbm4b:s20+s3] =	stream.linear.scatter [tilespmem:s23], [sflag:$0x3], $0x1900, $0x38;
	[tilespmem:$0x1DC00] =	vst v63  }
0x5d: {  	s24 =	sadd.s32 $0x1880, s22  }
0x5e: {  	[hbm4b:s24+s3] =	stream.linear.scatter [tilespmem:s25], [sflag:$0x3], $0x1900, $0x38;
	[tilespmem:$0x1DC00] =	vst v63  }
0x5f: {  	_ =	swait.ge [sflag:s12], $0x1900  }
0x60: {  	[sflag:s12] =	ssyncset.done $0x0  }
0x61: {  	[sflag:s12] =	ssyncadd.s32 $0xFFFFE700  }
0x62: {  	_ =	swait.ge [sflag:s12], $0x1900  }
0x63: {  	[sflag:s12] =	ssyncset.done $0x0  }
0x64: {  	[sflag:s12] =	ssyncadd.s32 $0xFFFFE700  }
0x65: {  	_ =	swait.ge [sflag:s12], $0x1900  }
0x66: {  	[sflag:s12] =	ssyncset.done $0x0  }
0x67: {  	[sflag:s12] =	ssyncadd.s32 $0xFFFFE700  }
0x68: {  	_ =	swait.ge [sflag:s12], $0x1900  }
0x69: {  	[sflag:s12] =	ssyncset.done $0x0  }
0x6a: {  	[sflag:s12] =	ssyncadd.s32 $0xFFFFE700  }
0x6b: {  	_ =	swait.ge [sflag:s12], $0x1900  }
0x6c: {  	[sflag:s12] =	ssyncset.done $0x0  }
0x6d: {  	[sflag:s12] =	ssyncadd.s32 $0xFFFFE700  }
0x6e: {  	_ =	swait.ge [sflag:s12], $0x1900  }
0x6f: {  	[sflag:s12] =	ssyncset.done $0x0  }
0x70: {  	[sflag:s12] =	ssyncadd.s32 $0xFFFFE700  }
0x71: {  	_ =	swait.ge [sflag:s12], $0x1900  }
0x72: {  	[sflag:s12] =	ssyncset.done $0x0  }
0x73: {  	[sflag:s12] =	ssyncadd.s32 $0xFFFFE700  }
0x74: {  	_ =	swait.ge [sflag:s12], $0x1900  }
0x75: {  	[sflag:s12] =	ssyncset.done $0x0  }
0x76: {  	s4 =	sand.u32 $0xE, s12;
	[sflag:s12] =	ssyncadd.s32 $0xFFFFE700  }
0x77: {  	s6 =	smul.u32 $0x700, s4;
	_ =	swait.ge [sflag:s14], $0xC800  }
0x78: {  	[sflag:s14] =	ssyncset.done $0x0  }
0x79: {  	s6 =	sshrl.u32 s6, $0x2;
	[sflag:s14] =	ssyncadd.s32 $0xFFFF3800  }
0x7a: {  	[tilespmem:s11], [sflag:$0x1] =	stream.indirect.gather [hbm4b:s1+s10], $0x80, s6, s10, $0xb8;
	[tilespmem:$0x1DC00] =	vst v63  }
0x7b: {  	s20 =	sor.u32 $0x38, s6  }
0x7c: {  	[tilespmem:s13], [sflag:$0x1] =	stream.indirect.gather [hbm4b:s1+s10], $0x80, s20, s10, $0xb8;
	[tilespmem:$0x1DC00] =	vst v63  }
0x7d: {  	s5 =	sor.u32 $0x70, s6  }
0x7e: {  	[tilespmem:s15], [sflag:$0x1] =	stream.indirect.gather [hbm4b:s1+s10], $0x80, s5, s10, $0xb8;
	[tilespmem:$0x1DC00] =	vst v63  }
0x7f: {  	s24 =	sadd.s32 $0xA8, s6  }
0x80: {  	[tilespmem:s17], [sflag:$0x1] =	stream.indirect.gather [hbm4b:s1+s10], $0x80, s24, s10, $0xb8;
	[tilespmem:$0x1DC00] =	vst v63  }
0x81: {  	s4 =	sadd.s32 $0xE0, s6  }
0x82: {  	[tilespmem:s19], [sflag:$0x1] =	stream.indirect.gather [hbm4b:s1+s10], $0x80, s4, s10, $0xb8;
	[tilespmem:$0x1DC00] =	vst v63  }
0x83: {  	s5 =	sadd.s32 $0x118, s6  }
0x84: {  	[tilespmem:s21], [sflag:$0x1] =	stream.indirect.gather [hbm4b:s1+s10], $0x80, s5, s10, $0xb8;
	[tilespmem:$0x1DC00] =	vst v63  }
0x85: {  	s24 =	sadd.s32 $0x150, s6  }
0x86: {  	[tilespmem:s23], [sflag:$0x1] =	stream.indirect.gather [hbm4b:s1+s10], $0x80, s24, s10, $0xb8;
	[tilespmem:$0x1DC00] =	vst v63  }
0x87: {  	s6 =	sadd.s32 $0x188, s6  }
0x88: {  	[tilespmem:s25], [sflag:$0x1] =	stream.indirect.gather [hbm4b:s1+s10], $0x80, s6, s10, $0xb8;
	[tilespmem:$0x1DC00] =	vst v63  }
0x89: {  	s4 =	sadd.s32 $0x1C00, s22  }
0x8a: {  	[hbm4b:s4+s3] =	stream.linear.scatter [tilespmem:s28], [sflag:$0x4], $0x1900, $0x38;
	[tilespmem:$0x1DC00] =	vst v63  }
0x8b: {  	s5 =	sadd.s32 $0x1F80, s22  }
0x8c: {  	[hbm4b:s5+s3] =	stream.linear.scatter [tilespmem:s29], [sflag:$0x4], $0x1900, $0x38;
	[tilespmem:$0x1DC00] =	vst v63  }
0x8d: {  	s20 =	sadd.s32 $0x2300, s22  }
0x8e: {  	[hbm4b:s20+s3] =	stream.linear.scatter [tilespmem:s30], [sflag:$0x4], $0x1900, $0x38;
	[tilespmem:$0x1DC00] =	vst v63  }
0x8f: {  	s24 =	sadd.s32 $0x2680, s22  }
0x90: {  	[hbm4b:s24+s3] =	stream.linear.scatter [tilespmem:s31], [sflag:$0x4], $0x1900, $0x38;
	[tilespmem:$0x1DC00] =	vst v63  }
0x91: {  	s4 =	sadd.s32 $0x2A00, s22  }
0x92: {  	[hbm4b:s4+s3] =	stream.linear.scatter [tilespmem:s0], [sflag:$0x4], $0x1900, $0x38;
	[tilespmem:$0x1DC00] =	vst v63  }
0x93: {  	s5 =	sadd.s32 $0x2D80, s22  }
0x94: {  	[hbm4b:s5+s3] =	stream.linear.scatter [tilespmem:s2], [sflag:$0x4], $0x1900, $0x38;
	[tilespmem:$0x1DC00] =	vst v63  }
0x95: {  	s20 =	sadd.s32 $0x3100, s22  }
0x96: {  	[hbm4b:s20+s3] =	stream.linear.scatter [tilespmem:s7], [sflag:$0x4], $0x1900, $0x38;
	[tilespmem:$0x1DC00] =	vst v63  }
0x97: {  	s24 =	sadd.s32 $0x3480, s22  }
0x98: {  	[hbm4b:s24+s3] =	stream.linear.scatter [tilespmem:s8], [sflag:$0x4], $0x1900, $0x38;
	[tilespmem:$0x1DC00] =	vst v63  }
0x99: {  	s6 =	smov.u32 s22;
	_ =	swait.ge [sflag:s16], $0xC800  }
0x9a: {  	s20 =	simm.s32 $0xE00;
	s24 =	simm.s32 $0x2;
	[sflag:s16] =	ssyncset.done $0x0  }
.LBB2_2:
0x9b: {  	[sflag:s16] =	ssyncadd.s32 $0xFFFF3800;
	s6 =	sadd.s32 $0x3800, s6;
	s24 =	sadd.s32 $0x2, s24  }
0x9c: {  	p0 =	sne.s32 s20, $0x6200;
	s4 =	smov.u32 s20;
	s20 =	sadd.s32 $0xE00, s20  }
0x9d: {  	_ =	swait.ge [sflag:s26], $0x1900  }
0x9e: {  	[sflag:s26] =	ssyncset.done $0x0  }
0x9f: {  	[sflag:s26] =	ssyncadd.s32 $0xFFFFE700  }
0xa0: {  	_ =	swait.ge [sflag:s26], $0x1900  }
0xa1: {  	[sflag:s26] =	ssyncset.done $0x0  }
0xa2: {  	[sflag:s26] =	ssyncadd.s32 $0xFFFFE700  }
0xa3: {  	_ =	swait.ge [sflag:s26], $0x1900  }
0xa4: {  	[sflag:s26] =	ssyncset.done $0x0  }
0xa5: {  	[sflag:s26] =	ssyncadd.s32 $0xFFFFE700  }
0xa6: {  	_ =	swait.ge [sflag:s26], $0x1900  }
0xa7: {  	[sflag:s26] =	ssyncset.done $0x0  }
0xa8: {  	[sflag:s26] =	ssyncadd.s32 $0xFFFFE700  }
0xa9: {  	_ =	swait.ge [sflag:s26], $0x1900  }
0xaa: {  	[sflag:s26] =	ssyncset.done $0x0  }
0xab: {  	[sflag:s26] =	ssyncadd.s32 $0xFFFFE700  }
0xac: {  	_ =	swait.ge [sflag:s26], $0x1900  }
0xad: {  	[sflag:s26] =	ssyncset.done $0x0  }
0xae: {  	[sflag:s26] =	ssyncadd.s32 $0xFFFFE700  }
0xaf: {  	_ =	swait.ge [sflag:s26], $0x1900  }
0xb0: {  	[sflag:s26] =	ssyncset.done $0x0  }
0xb1: {  	[sflag:s26] =	ssyncadd.s32 $0xFFFFE700  }
0xb2: {  	_ =	swait.ge [sflag:s26], $0x1900  }
0xb3: {  	s4 =	sshra.s32 s4, $0x2;
	[sflag:s26] =	ssyncset.done $0x0  }
0xb4: {  	s5 =	sadd.s32 $0x1C0, s4;
	[sflag:s26] =	ssyncadd.s32 $0xFFFFE700  }
0xb5: {  	[tilespmem:s28], [sflag:$0x2] =	stream.indirect.gather [hbm4b:s1+s10], $0x80, s5, s10, $0xb8;
	[tilespmem:$0x1DC00] =	vst v63  }
0xb6: {  	s5 =	sadd.s32 $0x1F8, s4  }
0xb7: {  	[tilespmem:s29], [sflag:$0x2] =	stream.indirect.gather [hbm4b:s1+s10], $0x80, s5, s10, $0xb8;
	[tilespmem:$0x1DC00] =	vst v63  }
0xb8: {  	s5 =	sadd.s32 $0x230, s4  }
0xb9: {  	[tilespmem:s30], [sflag:$0x2] =	stream.indirect.gather [hbm4b:s1+s10], $0x80, s5, s10, $0xb8;
	[tilespmem:$0x1DC00] =	vst v63  }
0xba: {  	s5 =	sadd.s32 $0x268, s4  }
0xbb: {  	[tilespmem:s31], [sflag:$0x2] =	stream.indirect.gather [hbm4b:s1+s10], $0x80, s5, s10, $0xb8;
	[tilespmem:$0x1DC00] =	vst v63  }
0xbc: {  	s5 =	sadd.s32 $0x2A0, s4  }
0xbd: {  	[tilespmem:s0], [sflag:$0x2] =	stream.indirect.gather [hbm4b:s1+s10], $0x80, s5, s10, $0xb8;
	[tilespmem:$0x1DC00] =	vst v63  }
0xbe: {  	s5 =	sadd.s32 $0x2D8, s4  }
0xbf: {  	[tilespmem:s2], [sflag:$0x2] =	stream.indirect.gather [hbm4b:s1+s10], $0x80, s5, s10, $0xb8;
	[tilespmem:$0x1DC00] =	vst v63  }
0xc0: {  	s5 =	sadd.s32 $0x310, s4  }
0xc1: {  	[tilespmem:s7], [sflag:$0x2] =	stream.indirect.gather [hbm4b:s1+s10], $0x80, s5, s10, $0xb8;
	[tilespmem:$0x1DC00] =	vst v63  }
0xc2: {  	s4 =	sadd.s32 $0x348, s4  }
0xc3: {  	[tilespmem:s8], [sflag:$0x2] =	stream.indirect.gather [hbm4b:s1+s10], $0x80, s4, s10, $0xb8;
	[tilespmem:$0x1DC00] =	vst v63  }
0xc4: {  	_ = 	snop  }
0xc5: {  	[hbm4b:s6+s3] =	stream.linear.scatter [tilespmem:s11], [sflag:$0x3], $0x1900, $0x38;
	[tilespmem:$0x1DC00] =	vst v63  }
0xc6: {  	s4 =	sadd.s32 $0x380, s6  }
0xc7: {  	[hbm4b:s4+s3] =	stream.linear.scatter [tilespmem:s13], [sflag:$0x3], $0x1900, $0x38;
	[tilespmem:$0x1DC00] =	vst v63  }
0xc8: {  	s4 =	sadd.s32 $0x700, s6  }
0xc9: {  	[hbm4b:s4+s3] =	stream.linear.scatter [tilespmem:s15], [sflag:$0x3], $0x1900, $0x38;
	[tilespmem:$0x1DC00] =	vst v63  }
0xca: {  	s4 =	sadd.s32 $0xA80, s6  }
0xcb: {  	[hbm4b:s4+s3] =	stream.linear.scatter [tilespmem:s17], [sflag:$0x3], $0x1900, $0x38;
	[tilespmem:$0x1DC00] =	vst v63  }
0xcc: {  	s4 =	sadd.s32 $0xE00, s6  }
0xcd: {  	[hbm4b:s4+s3] =	stream.linear.scatter [tilespmem:s19], [sflag:$0x3], $0x1900, $0x38;
	[tilespmem:$0x1DC00] =	vst v63  }
0xce: {  	s4 =	sadd.s32 $0x1180, s6  }
0xcf: {  	[hbm4b:s4+s3] =	stream.linear.scatter [tilespmem:s21], [sflag:$0x3], $0x1900, $0x38;
	[tilespmem:$0x1DC00] =	vst v63  }
0xd0: {  	s4 =	sadd.s32 $0x1500, s6  }
0xd1: {  	[hbm4b:s4+s3] =	stream.linear.scatter [tilespmem:s23], [sflag:$0x3], $0x1900, $0x38;
	[tilespmem:$0x1DC00] =	vst v63  }
0xd2: {  	s4 =	sadd.s32 $0x1880, s6  }
0xd3: {  	[hbm4b:s4+s3] =	stream.linear.scatter [tilespmem:s25], [sflag:$0x3], $0x1900, $0x38;
	[tilespmem:$0x1DC00] =	vst v63  }
0xd4: {  	_ =	swait.ge [sflag:s12], $0x1900  }
0xd5: {  	[sflag:s12] =	ssyncset.done $0x0  }
0xd6: {  	[sflag:s12] =	ssyncadd.s32 $0xFFFFE700  }
0xd7: {  	_ =	swait.ge [sflag:s12], $0x1900  }
0xd8: {  	[sflag:s12] =	ssyncset.done $0x0  }
0xd9: {  	[sflag:s12] =	ssyncadd.s32 $0xFFFFE700  }
0xda: {  	_ =	swait.ge [sflag:s12], $0x1900  }
0xdb: {  	[sflag:s12] =	ssyncset.done $0x0  }
0xdc: {  	[sflag:s12] =	ssyncadd.s32 $0xFFFFE700  }
0xdd: {  	_ =	swait.ge [sflag:s12], $0x1900  }
0xde: {  	[sflag:s12] =	ssyncset.done $0x0  }
0xdf: {  	[sflag:s12] =	ssyncadd.s32 $0xFFFFE700  }
0xe0: {  	_ =	swait.ge [sflag:s12], $0x1900  }
0xe1: {  	[sflag:s12] =	ssyncset.done $0x0  }
0xe2: {  	[sflag:s12] =	ssyncadd.s32 $0xFFFFE700  }
0xe3: {  	_ =	swait.ge [sflag:s12], $0x1900  }
0xe4: {  	[sflag:s12] =	ssyncset.done $0x0  }
0xe5: {  	[sflag:s12] =	ssyncadd.s32 $0xFFFFE700  }
0xe6: {  	_ =	swait.ge [sflag:s12], $0x1900  }
0xe7: {  	[sflag:s12] =	ssyncset.done $0x0  }
0xe8: {  	[sflag:s12] =	ssyncadd.s32 $0xFFFFE700  }
0xe9: {  	_ =	swait.ge [sflag:s12], $0x1900  }
0xea: {  	[sflag:s12] =	ssyncset.done $0x0  }
0xeb: {  	s4 =	sand.u32 $0xE, s24;
	[sflag:s12] =	ssyncadd.s32 $0xFFFFE700  }
0xec: {  	s4 =	smul.u32 $0x700, s4;
	_ =	swait.ge [sflag:s14], $0xC800  }
0xed: {  	[sflag:s14] =	ssyncset.done $0x0  }
0xee: {  	s4 =	sshrl.u32 s4, $0x2;
	[sflag:s14] =	ssyncadd.s32 $0xFFFF3800  }
0xef: {  	[tilespmem:s11], [sflag:$0x1] =	stream.indirect.gather [hbm4b:s1+s10], $0x80, s4, s10, $0xb8;
	[tilespmem:$0x1DC00] =	vst v63  }
0xf0: {  	s5 =	sor.u32 $0x38, s4  }
0xf1: {  	[tilespmem:s13], [sflag:$0x1] =	stream.indirect.gather [hbm4b:s1+s10], $0x80, s5, s10, $0xb8;
	[tilespmem:$0x1DC00] =	vst v63  }
0xf2: {  	s5 =	sor.u32 $0x70, s4  }
0xf3: {  	[tilespmem:s15], [sflag:$0x1] =	stream.indirect.gather [hbm4b:s1+s10], $0x80, s5, s10, $0xb8;
	[tilespmem:$0x1DC00] =	vst v63  }
0xf4: {  	s5 =	sadd.s32 $0xA8, s4  }
0xf5: {  	[tilespmem:s17], [sflag:$0x1] =	stream.indirect.gather [hbm4b:s1+s10], $0x80, s5, s10, $0xb8;
	[tilespmem:$0x1DC00] =	vst v63  }
0xf6: {  	s5 =	sadd.s32 $0xE0, s4  }
0xf7: {  	[tilespmem:s19], [sflag:$0x1] =	stream.indirect.gather [hbm4b:s1+s10], $0x80, s5, s10, $0xb8;
	[tilespmem:$0x1DC00] =	vst v63  }
0xf8: {  	s5 =	sadd.s32 $0x118, s4  }
0xf9: {  	[tilespmem:s21], [sflag:$0x1] =	stream.indirect.gather [hbm4b:s1+s10], $0x80, s5, s10, $0xb8;
	[tilespmem:$0x1DC00] =	vst v63  }
0xfa: {  	s5 =	sadd.s32 $0x150, s4  }
0xfb: {  	[tilespmem:s23], [sflag:$0x1] =	stream.indirect.gather [hbm4b:s1+s10], $0x80, s5, s10, $0xb8;
	[tilespmem:$0x1DC00] =	vst v63  }
0xfc: {  	s4 =	sadd.s32 $0x188, s4  }
0xfd: {  	[tilespmem:s25], [sflag:$0x1] =	stream.indirect.gather [hbm4b:s1+s10], $0x80, s4, s10, $0xb8;
	[tilespmem:$0x1DC00] =	vst v63  }
0xfe: {  	s4 =	sadd.s32 $0x1C00, s6  }
0xff: {  	[hbm4b:s4+s3] =	stream.linear.scatter [tilespmem:s28], [sflag:$0x4], $0x1900, $0x38;
	[tilespmem:$0x1DC00] =	vst v63  }
0x100: {  	s4 =	sadd.s32 $0x1F80, s6  }
0x101: {  	[hbm4b:s4+s3] =	stream.linear.scatter [tilespmem:s29], [sflag:$0x4], $0x1900, $0x38;
	[tilespmem:$0x1DC00] =	vst v63  }
0x102: {  	s4 =	sadd.s32 $0x2300, s6  }
0x103: {  	[hbm4b:s4+s3] =	stream.linear.scatter [tilespmem:s30], [sflag:$0x4], $0x1900, $0x38;
	[tilespmem:$0x1DC00] =	vst v63  }
0x104: {  	s4 =	sadd.s32 $0x2680, s6  }
0x105: {  	[hbm4b:s4+s3] =	stream.linear.scatter [tilespmem:s31], [sflag:$0x4], $0x1900, $0x38;
	[tilespmem:$0x1DC00] =	vst v63  }
0x106: {  	s4 =	sadd.s32 $0x2A00, s6  }
0x107: {  	[hbm4b:s4+s3] =	stream.linear.scatter [tilespmem:s0], [sflag:$0x4], $0x1900, $0x38;
	[tilespmem:$0x1DC00] =	vst v63  }
0x108: {  	s4 =	sadd.s32 $0x2D80, s6  }
0x109: {  	[hbm4b:s4+s3] =	stream.linear.scatter [tilespmem:s2], [sflag:$0x4], $0x1900, $0x38;
	[tilespmem:$0x1DC00] =	vst v63  }
0x10a: {  	s4 =	sadd.s32 $0x3100, s6  }
0x10b: {  	[hbm4b:s4+s3] =	stream.linear.scatter [tilespmem:s7], [sflag:$0x4], $0x1900, $0x38;
	[tilespmem:$0x1DC00] =	vst v63  }
.Ltmp0:
0x10c: {  	_ = 	snop;
	(pc) =	sbr.rel @p0 .LBB2_2-.Ltmp0, $4  }
0x10d: {  	s4 =	sadd.s32 $0x3480, s6  }
0x10e: {  	[hbm4b:s4+s3] =	stream.linear.scatter [tilespmem:s8], [sflag:$0x4], $0x1900, $0x38;
	[tilespmem:$0x1DC00] =	vst v63  }
0x10f: {  	_ =	swait.ge [sflag:s16], $0xC800  }
0x110: {  	[sflag:s16] =	ssyncset.done $0x0  }
0x111: {  	[sflag:s16] =	ssyncadd.s32 $0xFFFF3800  }
0x112: {  	_ =	swait.ge [sflag:s26], $0x1900  }
0x113: {  	[sflag:s26] =	ssyncset.done $0x0  }
0x114: {  	[sflag:s26] =	ssyncadd.s32 $0xFFFFE700  }
0x115: {  	_ =	swait.ge [sflag:s26], $0x1900  }
0x116: {  	[sflag:s26] =	ssyncset.done $0x0  }
0x117: {  	[sflag:s26] =	ssyncadd.s32 $0xFFFFE700  }
0x118: {  	_ =	swait.ge [sflag:s26], $0x1900  }
0x119: {  	[sflag:s26] =	ssyncset.done $0x0  }
0x11a: {  	[sflag:s26] =	ssyncadd.s32 $0xFFFFE700  }
0x11b: {  	_ =	swait.ge [sflag:s26], $0x1900  }
0x11c: {  	[sflag:s26] =	ssyncset.done $0x0  }
0x11d: {  	[sflag:s26] =	ssyncadd.s32 $0xFFFFE700  }
0x11e: {  	_ =	swait.ge [sflag:s26], $0x1900  }
0x11f: {  	[sflag:s26] =	ssyncset.done $0x0  }
0x120: {  	[sflag:s26] =	ssyncadd.s32 $0xFFFFE700  }
0x121: {  	_ =	swait.ge [sflag:s26], $0x1900  }
0x122: {  	[sflag:s26] =	ssyncset.done $0x0  }
0x123: {  	[sflag:s26] =	ssyncadd.s32 $0xFFFFE700  }
0x124: {  	_ =	swait.ge [sflag:s26], $0x1900  }
0x125: {  	[sflag:s26] =	ssyncset.done $0x0  }
0x126: {  	[sflag:s26] =	ssyncadd.s32 $0xFFFFE700  }
0x127: {  	_ =	swait.ge [sflag:s26], $0x1900  }
0x128: {  	s18 =	sadd.s32 $0x1, s18;
	s4 =	rddreg [dreg:$0x5]  }
0x129: {  	p0 =	sne.s32 s18, s4  }
.Ltmp1:
0x12a: {  	_ = 	snop;
	(pc) =	sbr.rel @p0 .LBB2_1-.Ltmp1, $3  }
0x12b: {  	_ =	sdelay $0x1  }
0x12c: {  	[sflag:s26] =	ssyncset.done $0x0  }
0x12d: {  	[sflag:s26] =	ssyncadd.s32 $0xFFFFE700  }
0x12e: {  	_ =	sfence.sel $0x180000  }
0x12f: {  	[bflag:$0x0] =	sbarrier.arrive $0xFFFF  }
0x130: {  	_ =	strace $0x90000047  }
0x131: {  	s0 =	stileid.u32;
	[bflag:$0x2] =	sbarrier.arrive $0xFFFF  }
0x132: {  	p0 =	sne.s32 s0, $0x0;
	s0 =	rddreg [dreg:$0x3]  }
0x133: {  	s0 =	sadd.s32 @!p0 $0x100000, s0  }
0x134: {  	[sflag:s0] =	ssyncadd.tile.s32 @!p0 $0x1;
	_ =	shalt  }
.Lfunc_end2:
_tile_overlayer_lowered:
.L_overlay_start_2:
0x135: {  	(tag) =	ssettag $0x2  }
0x136: {  	s0 =	rddreg [dreg:$0x0];
	s2 =	stileid.u32  }
0x137: {  	s1 =	rddreg [dreg:$0x1];
	p0 =	sne.s32 s2, $0x0  }
0x138: {  	s3 =	rddreg [dreg:$0x2];
	[bflag:$0x3] =	sbarrier.arrive $0xFFFF;
	s2 =	simm.s32 @!p0 $0x1C05  }
0x139: {  	[timem:s3], [sflag:s2] =	dma.local @!p0 [hbm:s0], s1  }
0x13a: {  	s0 =	simm.s32 @!p0 $0x5  }
0x13b: {  	_ =	swait.ge @!p0 [sflag:s0], s1  }
0x13c: {  	s1 =	ssub.s32 @!p0 $0x0, s1;
	[sflag:s0] =	ssyncset.done @!p0 $0x0  }
0x13d: {  	[sflag:s0] =	ssyncadd.s32 @!p0 s1  }
0x13e: {  	[bflag:$0x3] =	sbarrier.arrive $0xFFFF  }
0x13f: {  	_ =	shalt  }

</sc_bundles>
